<compile_context>
chip_gen: v7x
topology: tpu7x:2x2x1
jax: 0.10.2.dev20260603
libtpu: 0.0.44.dev20260713+nightly
codegen_flags: <defaults>
</compile_context>

<pallas_src>
import jax
import jax.numpy as jnp
from jax import lax
from jax.experimental import pallas as pl
from jax.experimental.pallas import tpu as pltpu
from jax.experimental.pallas import tpu_sc as plsc

_NC, _NS = 2, 16
_NW = _NC * _NS
_C = 128


_K = 5
_G = _K * _C


def _sc_gather(table, idx):
    n = idx.shape[0]
    V, D = table.shape
    b_per_w = n // _NW
    n_groups = b_per_w // _G
    assert n_groups % 2 == 0

    mesh = plsc.VectorSubcoreMesh(core_axis_name="c", subcore_axis_name="s")

    @pl.kernel(
        mesh=mesh,
        out_type=jax.ShapeDtypeStruct((n, D), jnp.float32),
        compiler_params=pltpu.CompilerParams(use_tc_tiling_on_sc=False),
        scratch_types=[
            pltpu.VMEM((b_per_w,), jnp.int32),
            pltpu.VMEM((2, _G, D), jnp.float32),
            pltpu.SemaphoreType.DMA,
            pltpu.SemaphoreType.DMA,
            pltpu.SemaphoreType.DMA,
            pltpu.SemaphoreType.DMA,
        ],
    )
    def gather_kernel(table_hbm, idx_hbm, out_hbm, idx_v, rows_v,
                      gsem0, gsem1, wsem0, wsem1):
        wid = lax.axis_index("s") * _NC + lax.axis_index("c")
        base = wid * b_per_w
        gsem = (gsem0, gsem1)
        wsem = (wsem0, wsem1)

        def fire_gather(g, b):
            for k in range(_K):
                pltpu.async_copy(
                    table_hbm.at[idx_v.at[pl.ds(g * _G + k * _C, _C)]],
                    rows_v.at[b].at[pl.ds(k * _C, _C)],
                    gsem[b],
                )

        def drain_gather(b):
            pltpu.make_async_copy(
                table_hbm.at[pl.ds(0, _G)], rows_v.at[b], gsem[b]
            ).wait()

        def fire_wb(g, b):
            pltpu.async_copy(
                rows_v.at[b], out_hbm.at[pl.ds(base + g * _G, _G)], wsem[b])

        def drain_wb(b):
            pltpu.make_async_copy(
                table_hbm.at[pl.ds(0, _G)], rows_v.at[b], wsem[b]
            ).wait()

        pltpu.sync_copy(idx_hbm.at[pl.ds(base, b_per_w)], idx_v)

        fire_gather(0, 0)
        fire_gather(1, 1)

        @pl.loop(0, n_groups - 2, step=2)
        def _(g0):
            drain_gather(0)
            fire_wb(g0, 0)
            drain_wb(0)
            fire_gather(g0 + 2, 0)
            drain_gather(1)
            fire_wb(g0 + 1, 1)
            drain_wb(1)
            fire_gather(g0 + 3, 1)

        drain_gather(0)
        fire_wb(n_groups - 2, 0)
        drain_gather(1)
        fire_wb(n_groups - 1, 1)
        drain_wb(0)
        drain_wb(1)

    return gather_kernel(table, idx)


_RB = 16384


def _pack_block(x_ref, o_ref):
    x = x_ref[...]
    o_ref[...] = jnp.concatenate([x[:, 0:_RB], x[:, _RB:2 * _RB]], axis=0).T


def _pack_table(Wt):
    D, V = Wt.shape
    grid = (V + 2 * _RB - 1) // (2 * _RB)
    return pl.pallas_call(
        _pack_block,
        grid=(grid,),
        in_specs=[pl.BlockSpec((D, 2 * _RB), lambda i: (0, i))],
        out_specs=pl.BlockSpec((_RB, 2 * D), lambda i: (i, 0)),
        out_shape=jax.ShapeDtypeStruct((grid * _RB, 2 * D), jnp.float32),
    )(Wt)


def kernel(token_ids, W_embed):
    B, H = token_ids.shape
    V, D = W_embed.shape
    n = B * H
    Q = H // 2

    P = _pack_table(W_embed.T)
    W_lin = P.reshape(2 * P.shape[0], D)

    ids_hmajor = token_ids.T.reshape(n)
    u = jnp.arange(n, dtype=jnp.int32)
    q, r = u // (2 * B), u % (2 * B)
    b, j = r // 2, r % 2
    t = ids_hmajor[(2 * q + j) * B + b]
    t = t.astype(jnp.int32)
    g, r = t // (2 * _RB), t % (2 * _RB)
    idx = g * (2 * _RB) + 2 * (r % _RB) + r // _RB

    G = _sc_gather(W_lin, idx)
    G3 = lax.optimization_barrier(G.reshape(Q, B, 2 * D))
    O = jnp.transpose(G3, (0, 2, 1))
    out = lax.optimization_barrier(O).reshape(H, D, B).transpose(2, 0, 1)
    return out

# --- scband reference (transcript-rebuilt; emitter-appended) ---
"""Pipeline reference for scband-embedding-1400159338788 (READ-ONLY COPY).

The authoritative reference and input builder live on the scoring server;
editing this copy changes nothing except your own understanding.
"""

import jax, jax.numpy as jnp
import numpy as np

NUM_EMBEDDINGS = 1000000
EMBED_DIM = 64
BATCH = 16384
HIST = 50


def setup_inputs(seed: int = 0) -> dict:
    key = jax.random.key(seed)
    k_idx, k_w = jax.random.split(key)
    token_ids = jax.random.randint(k_idx, (BATCH, HIST), 0, NUM_EMBEDDINGS, dtype=jnp.int64 if jax.config.jax_enable_x64 else jnp.int32)
    # truncated normal init (mu=0, sigma=1, a=-3, b=3), matching nn.init.trunc_normal_
    W_embed = jax.random.truncated_normal(k_w, -3.0, 3.0, (NUM_EMBEDDINGS, EMBED_DIM), dtype=jnp.float32)
    return {"token_ids": token_ids, "W_embed": W_embed}


def reference(token_ids, W_embed):
    # embedding lookup: gather rows of W_embed
    return jnp.take(W_embed, token_ids, axis=0)

if __name__ == "__main__":
    import jax
    _d = setup_inputs()
    print(jax.jit(kernel)(*tuple(_d.values())))

</pallas_src>

<mosaic_0001>
#map = affine_map<(d0, d1) -> (0, 0)>
#map1 = affine_map<(d0, d1) -> (0)>
module attributes {stable_mosaic.version = 14 : i64} {
  func.func @gather_kernel(%arg0: i32, %arg1: i32, %arg2: memref<1015808x64xf32, #tpu.memory_space<hbm>>, %arg3: memref<819200xi32, #tpu.memory_space<hbm>>, %arg4: memref<819200x64xf32, #tpu.memory_space<hbm>>, %arg5: memref<25600xi32, #tpu.memory_space<vmem>>, %arg6: memref<2x640x64xf32, #tpu.memory_space<vmem>>, %arg7: memref<!tpu.dma_semaphore, #tpu.memory_space<semaphore_mem>>, %arg8: memref<!tpu.dma_semaphore, #tpu.memory_space<semaphore_mem>>, %arg9: memref<!tpu.dma_semaphore, #tpu.memory_space<semaphore_mem>>, %arg10: memref<!tpu.dma_semaphore, #tpu.memory_space<semaphore_mem>>) attributes {dimension_semantics = [#tpu.dimension_semantics<core_parallel>, #tpu.dimension_semantics<subcore_parallel>], iteration_bounds = array<i64: 2, 16>, scalar_prefetch = 0 : i64, scratch_operands = 6 : i64, tpu.core_type = #tpu.core_type<sc_vector_subcore>, window_params = [{transform_indices = #map}, {transform_indices = #map1}, {transform_indices = #map}]} {
    %mul3A = arith.constant 2 : i32
    %mul3A_0 = arith.muli %arg1, %mul3A : i32
    %add3A = arith.addi %mul3A_0, %arg0 : i32
    %mul3A_1 = arith.constant 25600 : i32
    %mul3A_2 = arith.muli %add3A, %mul3A_1 : i32
    "tpu.region"() ({
      %run_scoped3A = tpu.sem_alloc : memref<!tpu.dma_semaphore, #tpu.memory_space<semaphore_mem>>
      %dma_start3A_225 = tpu.memref_slice %arg3[%mul3A_2] : memref<819200xi32, #tpu.memory_space<hbm>> -> memref<25600xi32, #tpu.memory_space<hbm>>
      %dma_start3A_226 = tpu.memref_slice %arg3[%mul3A_2] : memref<819200xi32, #tpu.memory_space<hbm>> -> memref<25600xi32, #tpu.memory_space<hbm>>
      tpu.enqueue_dma source(%dma_start3A_226 : memref<25600xi32, #tpu.memory_space<hbm>>) target(%arg5 : memref<25600xi32, #tpu.memory_space<vmem>>) target_semaphore(%run_scoped3A : memref<!tpu.dma_semaphore, #tpu.memory_space<semaphore_mem>>)
      %dma_wait3A_227 = tpu.memref_slice %arg3[%mul3A_2] : memref<819200xi32, #tpu.memory_space<hbm>> -> memref<25600xi32, #tpu.memory_space<hbm>>
      %dma_wait3A_228 = tpu.memref_slice %arg3[%mul3A_2] : memref<819200xi32, #tpu.memory_space<hbm>> -> memref<25600xi32, #tpu.memory_space<hbm>>
      tpu.wait_dma2 semaphore(%run_scoped3A : memref<!tpu.dma_semaphore, #tpu.memory_space<semaphore_mem>>) src(%dma_wait3A_228 : memref<25600xi32, #tpu.memory_space<hbm>>) dst(%arg5 : memref<25600xi32, #tpu.memory_space<vmem>>)
      tpu.yield
    }) : () -> ()
    %dma_start3A = arith.constant 0 : i32
    %dma_start3A_3 = arith.constant 0 : i32
    %dma_start3A_4 = arith.constant 0 : i32
    %dma_start3A_5 = tpu.memref_slice %arg6[%dma_start3A, %dma_start3A_3, %dma_start3A_4] : memref<2x640x64xf32, #tpu.memory_space<vmem>> -> memref<1x640x64xf32, #tpu.memory_space<vmem>>
    %dma_start3A_6 = tpu.memref_squeeze %dma_start3A_5 : memref<1x640x64xf32, #tpu.memory_space<vmem>> -> memref<640x64xf32, #tpu.memory_space<vmem>>
    %dma_start3A_7 = arith.constant 0 : i32
    %dma_start3A_8 = arith.constant 0 : i32
    %dma_start3A_9 = tpu.memref_slice %dma_start3A_6[%dma_start3A_7, %dma_start3A_8] : memref<640x64xf32, #tpu.memory_space<vmem>> -> memref<128x64xf32, #tpu.memory_space<vmem>>
    %dma_start3A_10 = arith.constant 0 : i32
    %dma_start3A_11 = tpu.memref_slice %arg5[%dma_start3A_10] : memref<25600xi32, #tpu.memory_space<vmem>> -> memref<128xi32, #tpu.memory_space<vmem>>
    %dma_start3A_12 = arith.constant 0 : i32
    %dma_start3A_13 = arith.constant 0 : i32
    %dma_start3A_14 = tpu.memref_slice %arg2[%dma_start3A_12, %dma_start3A_13] : memref<1015808x64xf32, #tpu.memory_space<hbm>> -> memref<1015808x64xf32, #tpu.memory_space<hbm>>
    tpu.enqueue_indirect_dma source(%dma_start3A_14 : memref<1015808x64xf32, #tpu.memory_space<hbm>>) target(%dma_start3A_9 : memref<128x64xf32, #tpu.memory_space<vmem>>) offsets(%dma_start3A_11 : memref<128xi32, #tpu.memory_space<vmem>>) semaphore(%arg7 : memref<!tpu.dma_semaphore, #tpu.memory_space<semaphore_mem>>)
    %dma_start3A_15 = arith.constant 0 : i32
    %dma_start3A_16 = arith.constant 0 : i32
    %dma_start3A_17 = arith.constant 0 : i32
    %dma_start3A_18 = tpu.memref_slice %arg6[%dma_start3A_15, %dma_start3A_16, %dma_start3A_17] : memref<2x640x64xf32, #tpu.memory_space<vmem>> -> memref<1x640x64xf32, #tpu.memory_space<vmem>>
    %dma_start3A_19 = tpu.memref_squeeze %dma_start3A_18 : memref<1x640x64xf32, #tpu.memory_space<vmem>> -> memref<640x64xf32, #tpu.memory_space<vmem>>
    %dma_start3A_20 = arith.constant 128 : i32
    %dma_start3A_21 = arith.constant 0 : i32
    %dma_start3A_22 = tpu.memref_slice %dma_start3A_19[%dma_start3A_20, %dma_start3A_21] : memref<640x64xf32, #tpu.memory_space<vmem>> -> memref<128x64xf32, #tpu.memory_space<vmem>>
    %dma_start3A_23 = arith.constant 128 : i32
    %dma_start3A_24 = tpu.memref_slice %arg5[%dma_start3A_23] : memref<25600xi32, #tpu.memory_space<vmem>> -> memref<128xi32, #tpu.memory_space<vmem>>
    %dma_start3A_25 = arith.constant 0 : i32
    %dma_start3A_26 = arith.constant 0 : i32
    %dma_start3A_27 = tpu.memref_slice %arg2[%dma_start3A_25, %dma_start3A_26] : memref<1015808x64xf32, #tpu.memory_space<hbm>> -> memref<1015808x64xf32, #tpu.memory_space<hbm>>
    tpu.enqueue_indirect_dma source(%dma_start3A_27 : memref<1015808x64xf32, #tpu.memory_space<hbm>>) target(%dma_start3A_22 : memref<128x64xf32, #tpu.memory_space<vmem>>) offsets(%dma_start3A_24 : memref<128xi32, #tpu.memory_space<vmem>>) semaphore(%arg7 : memref<!tpu.dma_semaphore, #tpu.memory_space<semaphore_mem>>)
    %dma_start3A_28 = arith.constant 0 : i32
    %dma_start3A_29 = arith.constant 0 : i32
    %dma_start3A_30 = arith.constant 0 : i32
    %dma_start3A_31 = tpu.memref_slice %arg6[%dma_start3A_28, %dma_start3A_29, %dma_start3A_30] : memref<2x640x64xf32, #tpu.memory_space<vmem>> -> memref<1x640x64xf32, #tpu.memory_space<vmem>>
    %dma_start3A_32 = tpu.memref_squeeze %dma_start3A_31 : memref<1x640x64xf32, #tpu.memory_space<vmem>> -> memref<640x64xf32, #tpu.memory_space<vmem>>
    %dma_start3A_33 = arith.constant 256 : i32
    %dma_start3A_34 = arith.constant 0 : i32
    %dma_start3A_35 = tpu.memref_slice %dma_start3A_32[%dma_start3A_33, %dma_start3A_34] : memref<640x64xf32, #tpu.memory_space<vmem>> -> memref<128x64xf32, #tpu.memory_space<vmem>>
    %dma_start3A_36 = arith.constant 256 : i32
    %dma_start3A_37 = tpu.memref_slice %arg5[%dma_start3A_36] : memref<25600xi32, #tpu.memory_space<vmem>> -> memref<128xi32, #tpu.memory_space<vmem>>
    %dma_start3A_38 = arith.constant 0 : i32
    %dma_start3A_39 = arith.constant 0 : i32
    %dma_start3A_40 = tpu.memref_slice %arg2[%dma_start3A_38, %dma_start3A_39] : memref<1015808x64xf32, #tpu.memory_space<hbm>> -> memref<1015808x64xf32, #tpu.memory_space<hbm>>
    tpu.enqueue_indirect_dma source(%dma_start3A_40 : memref<1015808x64xf32, #tpu.memory_space<hbm>>) target(%dma_start3A_35 : memref<128x64xf32, #tpu.memory_space<vmem>>) offsets(%dma_start3A_37 : memref<128xi32, #tpu.memory_space<vmem>>) semaphore(%arg7 : memref<!tpu.dma_semaphore, #tpu.memory_space<semaphore_mem>>)
    %dma_start3A_41 = arith.constant 0 : i32
    %dma_start3A_42 = arith.constant 0 : i32
    %dma_start3A_43 = arith.constant 0 : i32
    %dma_start3A_44 = tpu.memref_slice %arg6[%dma_start3A_41, %dma_start3A_42, %dma_start3A_43] : memref<2x640x64xf32, #tpu.memory_space<vmem>> -> memref<1x640x64xf32, #tpu.memory_space<vmem>>
    %dma_start3A_45 = tpu.memref_squeeze %dma_start3A_44 : memref<1x640x64xf32, #tpu.memory_space<vmem>> -> memref<640x64xf32, #tpu.memory_space<vmem>>
    %dma_start3A_46 = arith.constant 384 : i32
    %dma_start3A_47 = arith.constant 0 : i32
    %dma_start3A_48 = tpu.memref_slice %dma_start3A_45[%dma_start3A_46, %dma_start3A_47] : memref<640x64xf32, #tpu.memory_space<vmem>> -> memref<128x64xf32, #tpu.memory_space<vmem>>
    %dma_start3A_49 = arith.constant 384 : i32
    %dma_start3A_50 = tpu.memref_slice %arg5[%dma_start3A_49] : memref<25600xi32, #tpu.memory_space<vmem>> -> memref<128xi32, #tpu.memory_space<vmem>>
    %dma_start3A_51 = arith.constant 0 : i32
    %dma_start3A_52 = arith.constant 0 : i32
    %dma_start3A_53 = tpu.memref_slice %arg2[%dma_start3A_51, %dma_start3A_52] : memref<1015808x64xf32, #tpu.memory_space<hbm>> -> memref<1015808x64xf32, #tpu.memory_space<hbm>>
    tpu.enqueue_indirect_dma source(%dma_start3A_53 : memref<1015808x64xf32, #tpu.memory_space<hbm>>) target(%dma_start3A_48 : memref<128x64xf32, #tpu.memory_space<vmem>>) offsets(%dma_start3A_50 : memref<128xi32, #tpu.memory_space<vmem>>) semaphore(%arg7 : memref<!tpu.dma_semaphore, #tpu.memory_space<semaphore_mem>>)
    %dma_start3A_54 = arith.constant 0 : i32
    %dma_start3A_55 = arith.constant 0 : i32
    %dma_start3A_56 = arith.constant 0 : i32
    %dma_start3A_57 = tpu.memref_slice %arg6[%dma_start3A_54, %dma_start3A_55, %dma_start3A_56] : memref<2x640x64xf32, #tpu.memory_space<vmem>> -> memref<1x640x64xf32, #tpu.memory_space<vmem>>
    %dma_start3A_58 = tpu.memref_squeeze %dma_start3A_57 : memref<1x640x64xf32, #tpu.memory_space<vmem>> -> memref<640x64xf32, #tpu.memory_space<vmem>>
    %dma_start3A_59 = arith.constant 512 : i32
    %dma_start3A_60 = arith.constant 0 : i32
    %dma_start3A_61 = tpu.memref_slice %dma_start3A_58[%dma_start3A_59, %dma_start3A_60] : memref<640x64xf32, #tpu.memory_space<vmem>> -> memref<128x64xf32, #tpu.memory_space<vmem>>
    %dma_start3A_62 = arith.constant 512 : i32
    %dma_start3A_63 = tpu.memref_slice %arg5[%dma_start3A_62] : memref<25600xi32, #tpu.memory_space<vmem>> -> memref<128xi32, #tpu.memory_space<vmem>>
    %dma_start3A_64 = arith.constant 0 : i32
    %dma_start3A_65 = arith.constant 0 : i32
    %dma_start3A_66 = tpu.memref_slice %arg2[%dma_start3A_64, %dma_start3A_65] : memref<1015808x64xf32, #tpu.memory_space<hbm>> -> memref<1015808x64xf32, #tpu.memory_space<hbm>>
    tpu.enqueue_indirect_dma source(%dma_start3A_66 : memref<1015808x64xf32, #tpu.memory_space<hbm>>) target(%dma_start3A_61 : memref<128x64xf32, #tpu.memory_space<vmem>>) offsets(%dma_start3A_63 : memref<128xi32, #tpu.memory_space<vmem>>) semaphore(%arg7 : memref<!tpu.dma_semaphore, #tpu.memory_space<semaphore_mem>>)
    %dma_start3A_67 = arith.constant 1 : i32
    %dma_start3A_68 = arith.constant 0 : i32
    %dma_start3A_69 = arith.constant 0 : i32
    %dma_start3A_70 = tpu.memref_slice %arg6[%dma_start3A_67, %dma_start3A_68, %dma_start3A_69] : memref<2x640x64xf32, #tpu.memory_space<vmem>> -> memref<1x640x64xf32, #tpu.memory_space<vmem>>
    %dma_start3A_71 = tpu.memref_squeeze %dma_start3A_70 : memref<1x640x64xf32, #tpu.memory_space<vmem>> -> memref<640x64xf32, #tpu.memory_space<vmem>>
    %dma_start3A_72 = arith.constant 0 : i32
    %dma_start3A_73 = arith.constant 0 : i32
    %dma_start3A_74 = tpu.memref_slice %dma_start3A_71[%dma_start3A_72, %dma_start3A_73] : memref<640x64xf32, #tpu.memory_space<vmem>> -> memref<128x64xf32, #tpu.memory_space<vmem>>
    %dma_start3A_75 = arith.constant 640 : i32
    %dma_start3A_76 = tpu.memref_slice %arg5[%dma_start3A_75] : memref<25600xi32, #tpu.memory_space<vmem>> -> memref<128xi32, #tpu.memory_space<vmem>>
    %dma_start3A_77 = arith.constant 0 : i32
    %dma_start3A_78 = arith.constant 0 : i32
    %dma_start3A_79 = tpu.memref_slice %arg2[%dma_start3A_77, %dma_start3A_78] : memref<1015808x64xf32, #tpu.memory_space<hbm>> -> memref<1015808x64xf32, #tpu.memory_space<hbm>>
    tpu.enqueue_indirect_dma source(%dma_start3A_79 : memref<1015808x64xf32, #tpu.memory_space<hbm>>) target(%dma_start3A_74 : memref<128x64xf32, #tpu.memory_space<vmem>>) offsets(%dma_start3A_76 : memref<128xi32, #tpu.memory_space<vmem>>) semaphore(%arg8 : memref<!tpu.dma_semaphore, #tpu.memory_space<semaphore_mem>>)
    %dma_start3A_80 = arith.constant 1 : i32
    %dma_start3A_81 = arith.constant 0 : i32
    %dma_start3A_82 = arith.constant 0 : i32
    %dma_start3A_83 = tpu.memref_slice %arg6[%dma_start3A_80, %dma_start3A_81, %dma_start3A_82] : memref<2x640x64xf32, #tpu.memory_space<vmem>> -> memref<1x640x64xf32, #tpu.memory_space<vmem>>
    %dma_start3A_84 = tpu.memref_squeeze %dma_start3A_83 : memref<1x640x64xf32, #tpu.memory_space<vmem>> -> memref<640x64xf32, #tpu.memory_space<vmem>>
    %dma_start3A_85 = arith.constant 128 : i32
    %dma_start3A_86 = arith.constant 0 : i32
    %dma_start3A_87 = tpu.memref_slice %dma_start3A_84[%dma_start3A_85, %dma_start3A_86] : memref<640x64xf32, #tpu.memory_space<vmem>> -> memref<128x64xf32, #tpu.memory_space<vmem>>
    %dma_start3A_88 = arith.constant 768 : i32
    %dma_start3A_89 = tpu.memref_slice %arg5[%dma_start3A_88] : memref<25600xi32, #tpu.memory_space<vmem>> -> memref<128xi32, #tpu.memory_space<vmem>>
    %dma_start3A_90 = arith.constant 0 : i32
    %dma_start3A_91 = arith.constant 0 : i32
    %dma_start3A_92 = tpu.memref_slice %arg2[%dma_start3A_90, %dma_start3A_91] : memref<1015808x64xf32, #tpu.memory_space<hbm>> -> memref<1015808x64xf32, #tpu.memory_space<hbm>>
    tpu.enqueue_indirect_dma source(%dma_start3A_92 : memref<1015808x64xf32, #tpu.memory_space<hbm>>) target(%dma_start3A_87 : memref<128x64xf32, #tpu.memory_space<vmem>>) offsets(%dma_start3A_89 : memref<128xi32, #tpu.memory_space<vmem>>) semaphore(%arg8 : memref<!tpu.dma_semaphore, #tpu.memory_space<semaphore_mem>>)
    %dma_start3A_93 = arith.constant 1 : i32
    %dma_start3A_94 = arith.constant 0 : i32
    %dma_start3A_95 = arith.constant 0 : i32
    %dma_start3A_96 = tpu.memref_slice %arg6[%dma_start3A_93, %dma_start3A_94, %dma_start3A_95] : memref<2x640x64xf32, #tpu.memory_space<vmem>> -> memref<1x640x64xf32, #tpu.memory_space<vmem>>
    %dma_start3A_97 = tpu.memref_squeeze %dma_start3A_96 : memref<1x640x64xf32, #tpu.memory_space<vmem>> -> memref<640x64xf32, #tpu.memory_space<vmem>>
    %dma_start3A_98 = arith.constant 256 : i32
    %dma_start3A_99 = arith.constant 0 : i32
    %dma_start3A_100 = tpu.memref_slice %dma_start3A_97[%dma_start3A_98, %dma_start3A_99] : memref<640x64xf32, #tpu.memory_space<vmem>> -> memref<128x64xf32, #tpu.memory_space<vmem>>
    %dma_start3A_101 = arith.constant 896 : i32
    %dma_start3A_102 = tpu.memref_slice %arg5[%dma_start3A_101] : memref<25600xi32, #tpu.memory_space<vmem>> -> memref<128xi32, #tpu.memory_space<vmem>>
    %dma_start3A_103 = arith.constant 0 : i32
    %dma_start3A_104 = arith.constant 0 : i32
    %dma_start3A_105 = tpu.memref_slice %arg2[%dma_start3A_103, %dma_start3A_104] : memref<1015808x64xf32, #tpu.memory_space<hbm>> -> memref<1015808x64xf32, #tpu.memory_space<hbm>>
    tpu.enqueue_indirect_dma source(%dma_start3A_105 : memref<1015808x64xf32, #tpu.memory_space<hbm>>) target(%dma_start3A_100 : memref<128x64xf32, #tpu.memory_space<vmem>>) offsets(%dma_start3A_102 : memref<128xi32, #tpu.memory_space<vmem>>) semaphore(%arg8 : memref<!tpu.dma_semaphore, #tpu.memory_space<semaphore_mem>>)
    %dma_start3A_106 = arith.constant 1 : i32
    %dma_start3A_107 = arith.constant 0 : i32
    %dma_start3A_108 = arith.constant 0 : i32
    %dma_start3A_109 = tpu.memref_slice %arg6[%dma_start3A_106, %dma_start3A_107, %dma_start3A_108] : memref<2x640x64xf32, #tpu.memory_space<vmem>> -> memref<1x640x64xf32, #tpu.memory_space<vmem>>
    %dma_start3A_110 = tpu.memref_squeeze %dma_start3A_109 : memref<1x640x64xf32, #tpu.memory_space<vmem>> -> memref<640x64xf32, #tpu.memory_space<vmem>>
    %dma_start3A_111 = arith.constant 384 : i32
    %dma_start3A_112 = arith.constant 0 : i32
    %dma_start3A_113 = tpu.memref_slice %dma_start3A_110[%dma_start3A_111, %dma_start3A_112] : memref<640x64xf32, #tpu.memory_space<vmem>> -> memref<128x64xf32, #tpu.memory_space<vmem>>
    %dma_start3A_114 = arith.constant 1024 : i32
    %dma_start3A_115 = tpu.memref_slice %arg5[%dma_start3A_114] : memref<25600xi32, #tpu.memory_space<vmem>> -> memref<128xi32, #tpu.memory_space<vmem>>
    %dma_start3A_116 = arith.constant 0 : i32
    %dma_start3A_117 = arith.constant 0 : i32
    %dma_start3A_118 = tpu.memref_slice %arg2[%dma_start3A_116, %dma_start3A_117] : memref<1015808x64xf32, #tpu.memory_space<hbm>> -> memref<1015808x64xf32, #tpu.memory_space<hbm>>
    tpu.enqueue_indirect_dma source(%dma_start3A_118 : memref<1015808x64xf32, #tpu.memory_space<hbm>>) target(%dma_start3A_113 : memref<128x64xf32, #tpu.memory_space<vmem>>) offsets(%dma_start3A_115 : memref<128xi32, #tpu.memory_space<vmem>>) semaphore(%arg8 : memref<!tpu.dma_semaphore, #tpu.memory_space<semaphore_mem>>)
    %dma_start3A_119 = arith.constant 1 : i32
    %dma_start3A_120 = arith.constant 0 : i32
    %dma_start3A_121 = arith.constant 0 : i32
    %dma_start3A_122 = tpu.memref_slice %arg6[%dma_start3A_119, %dma_start3A_120, %dma_start3A_121] : memref<2x640x64xf32, #tpu.memory_space<vmem>> -> memref<1x640x64xf32, #tpu.memory_space<vmem>>
    %dma_start3A_123 = tpu.memref_squeeze %dma_start3A_122 : memref<1x640x64xf32, #tpu.memory_space<vmem>> -> memref<640x64xf32, #tpu.memory_space<vmem>>
    %dma_start3A_124 = arith.constant 512 : i32
    %dma_start3A_125 = arith.constant 0 : i32
    %dma_start3A_126 = tpu.memref_slice %dma_start3A_123[%dma_start3A_124, %dma_start3A_125] : memref<640x64xf32, #tpu.memory_space<vmem>> -> memref<128x64xf32, #tpu.memory_space<vmem>>
    %dma_start3A_127 = arith.constant 1152 : i32
    %dma_start3A_128 = tpu.memref_slice %arg5[%dma_start3A_127] : memref<25600xi32, #tpu.memory_space<vmem>> -> memref<128xi32, #tpu.memory_space<vmem>>
    %dma_start3A_129 = arith.constant 0 : i32
    %dma_start3A_130 = arith.constant 0 : i32
    %dma_start3A_131 = tpu.memref_slice %arg2[%dma_start3A_129, %dma_start3A_130] : memref<1015808x64xf32, #tpu.memory_space<hbm>> -> memref<1015808x64xf32, #tpu.memory_space<hbm>>
    tpu.enqueue_indirect_dma source(%dma_start3A_131 : memref<1015808x64xf32, #tpu.memory_space<hbm>>) target(%dma_start3A_126 : memref<128x64xf32, #tpu.memory_space<vmem>>) offsets(%dma_start3A_128 : memref<128xi32, #tpu.memory_space<vmem>>) semaphore(%arg8 : memref<!tpu.dma_semaphore, #tpu.memory_space<semaphore_mem>>)
    %scan3A = arith.constant 0 : i32
    %scan3A_132 = arith.constant 19 : i32
    %scan3A_133 = arith.addi %scan3A, %scan3A_132 : i32
    %scan3A_134 = arith.constant 1 : i32
    scf.for %scan3A_225 = %scan3A to %scan3A_133 step %scan3A_134  : i32 {
      %mul3A_226 = arith.constant 2 : i32
      %mul3A_227 = arith.muli %scan3A_225, %mul3A_226 : i32
      %add3A_228 = arith.constant 0 : i32
      %add3A_229 = arith.addi %add3A_228, %mul3A_227 : i32
      %dma_wait3A_230 = arith.constant 0 : i32
      %dma_wait3A_231 = arith.constant 0 : i32
      %dma_wait3A_232 = arith.constant 0 : i32
      %dma_wait3A_233 = tpu.memref_slice %arg6[%dma_wait3A_230, %dma_wait3A_231, %dma_wait3A_232] : memref<2x640x64xf32, #tpu.memory_space<vmem>> -> memref<1x640x64xf32, #tpu.memory_space<vmem>>
      %dma_wait3A_234 = tpu.memref_squeeze %dma_wait3A_233 : memref<1x640x64xf32, #tpu.memory_space<vmem>> -> memref<640x64xf32, #tpu.memory_space<vmem>>
      %dma_wait3A_235 = arith.constant 0 : i32
      %dma_wait3A_236 = arith.constant 0 : i32
      %dma_wait3A_237 = tpu.memref_slice %arg2[%dma_wait3A_235, %dma_wait3A_236] : memref<1015808x64xf32, #tpu.memory_space<hbm>> -> memref<640x64xf32, #tpu.memory_space<hbm>>
      %dma_wait3A_238 = arith.constant 0 : i32
      %dma_wait3A_239 = arith.constant 0 : i32
      %dma_wait3A_240 = tpu.memref_slice %arg6[%dma_wait3A_230, %dma_wait3A_238, %dma_wait3A_239] : memref<2x640x64xf32, #tpu.memory_space<vmem>> -> memref<1x640x64xf32, #tpu.memory_space<vmem>>
      %dma_wait3A_241 = tpu.memref_squeeze %dma_wait3A_240 : memref<1x640x64xf32, #tpu.memory_space<vmem>> -> memref<640x64xf32, #tpu.memory_space<vmem>>
      %dma_wait3A_242 = arith.constant 0 : i32
      %dma_wait3A_243 = arith.constant 0 : i32
      %dma_wait3A_244 = tpu.memref_slice %arg2[%dma_wait3A_242, %dma_wait3A_243] : memref<1015808x64xf32, #tpu.memory_space<hbm>> -> memref<640x64xf32, #tpu.memory_space<hbm>>
      tpu.wait_dma2 semaphore(%arg7 : memref<!tpu.dma_semaphore, #tpu.memory_space<semaphore_mem>>) src(%dma_wait3A_244 : memref<640x64xf32, #tpu.memory_space<hbm>>) dst(%dma_wait3A_241 : memref<640x64xf32, #tpu.memory_space<vmem>>)
      %mul3A_245 = arith.constant 640 : i32
      %mul3A_246 = arith.muli %add3A_229, %mul3A_245 : i32
      %add3A_247 = arith.addi %mul3A_2, %mul3A_246 : i32
      %dma_start3A_248 = arith.constant 0 : i32
      %dma_start3A_249 = arith.constant 0 : i32
      %dma_start3A_250 = arith.constant 0 : i32
      %dma_start3A_251 = tpu.memref_slice %arg6[%dma_start3A_248, %dma_start3A_249, %dma_start3A_250] : memref<2x640x64xf32, #tpu.memory_space<vmem>> -> memref<1x640x64xf32, #tpu.memory_space<vmem>>
      %dma_start3A_252 = tpu.memref_squeeze %dma_start3A_251 : memref<1x640x64xf32, #tpu.memory_space<vmem>> -> memref<640x64xf32, #tpu.memory_space<vmem>>
      %dma_start3A_253 = arith.constant 0 : i32
      %dma_start3A_254 = tpu.memref_slice %arg4[%add3A_247, %dma_start3A_253] : memref<819200x64xf32, #tpu.memory_space<hbm>> -> memref<640x64xf32, #tpu.memory_space<hbm>>
      %dma_start3A_255 = arith.constant 0 : i32
      %dma_start3A_256 = tpu.memref_slice %arg4[%add3A_247, %dma_start3A_255] : memref<819200x64xf32, #tpu.memory_space<hbm>> -> memref<640x64xf32, #tpu.memory_space<hbm>>
      %dma_start3A_257 = arith.constant 0 : i32
      %dma_start3A_258 = arith.constant 0 : i32
      %dma_start3A_259 = tpu.memref_slice %arg6[%dma_start3A_248, %dma_start3A_257, %dma_start3A_258] : memref<2x640x64xf32, #tpu.memory_space<vmem>> -> memref<1x640x64xf32, #tpu.memory_space<vmem>>
      %dma_start3A_260 = tpu.memref_squeeze %dma_start3A_259 : memref<1x640x64xf32, #tpu.memory_space<vmem>> -> memref<640x64xf32, #tpu.memory_space<vmem>>
      tpu.enqueue_dma source(%dma_start3A_260 : memref<640x64xf32, #tpu.memory_space<vmem>>) target(%dma_start3A_256 : memref<640x64xf32, #tpu.memory_space<hbm>>) target_semaphore(%arg9 : memref<!tpu.dma_semaphore, #tpu.memory_space<semaphore_mem>>)
      %dma_wait3A_261 = arith.constant 0 : i32
      %dma_wait3A_262 = arith.constant 0 : i32
      %dma_wait3A_263 = arith.constant 0 : i32
      %dma_wait3A_264 = tpu.memref_slice %arg6[%dma_wait3A_261, %dma_wait3A_262, %dma_wait3A_263] : memref<2x640x64xf32, #tpu.memory_space<vmem>> -> memref<1x640x64xf32, #tpu.memory_space<vmem>>
      %dma_wait3A_265 = tpu.memref_squeeze %dma_wait3A_264 : memref<1x640x64xf32, #tpu.memory_space<vmem>> -> memref<640x64xf32, #tpu.memory_space<vmem>>
      %dma_wait3A_266 = arith.constant 0 : i32
      %dma_wait3A_267 = arith.constant 0 : i32
      %dma_wait3A_268 = tpu.memref_slice %arg2[%dma_wait3A_266, %dma_wait3A_267] : memref<1015808x64xf32, #tpu.memory_space<hbm>> -> memref<640x64xf32, #tpu.memory_space<hbm>>
      %dma_wait3A_269 = arith.constant 0 : i32
      %dma_wait3A_270 = arith.constant 0 : i32
      %dma_wait3A_271 = tpu.memref_slice %arg6[%dma_wait3A_261, %dma_wait3A_269, %dma_wait3A_270] : memref<2x640x64xf32, #tpu.memory_space<vmem>> -> memref<1x640x64xf32, #tpu.memory_space<vmem>>
      %dma_wait3A_272 = tpu.memref_squeeze %dma_wait3A_271 : memref<1x640x64xf32, #tpu.memory_space<vmem>> -> memref<640x64xf32, #tpu.memory_space<vmem>>
      %dma_wait3A_273 = arith.constant 0 : i32
      %dma_wait3A_274 = arith.constant 0 : i32
      %dma_wait3A_275 = tpu.memref_slice %arg2[%dma_wait3A_273, %dma_wait3A_274] : memref<1015808x64xf32, #tpu.memory_space<hbm>> -> memref<640x64xf32, #tpu.memory_space<hbm>>
      tpu.wait_dma2 semaphore(%arg9 : memref<!tpu.dma_semaphore, #tpu.memory_space<semaphore_mem>>) src(%dma_wait3A_275 : memref<640x64xf32, #tpu.memory_space<hbm>>) dst(%dma_wait3A_272 : memref<640x64xf32, #tpu.memory_space<vmem>>)
      %add3A_276 = arith.constant 2 : i32
      %add3A_277 = arith.addi %add3A_229, %add3A_276 : i32
      %mul3A_278 = arith.constant 640 : i32
      %mul3A_279 = arith.muli %add3A_277, %mul3A_278 : i32
      %add3A_280 = arith.constant 0 : i32
      %add3A_281 = arith.addi %mul3A_279, %add3A_280 : i32
      %dma_start3A_282 = arith.constant 0 : i32
      %dma_start3A_283 = arith.constant 0 : i32
      %dma_start3A_284 = arith.constant 0 : i32
      %dma_start3A_285 = tpu.memref_slice %arg6[%dma_start3A_282, %dma_start3A_283, %dma_start3A_284] : memref<2x640x64xf32, #tpu.memory_space<vmem>> -> memref<1x640x64xf32, #tpu.memory_space<vmem>>
      %dma_start3A_286 = tpu.memref_squeeze %dma_start3A_285 : memref<1x640x64xf32, #tpu.memory_space<vmem>> -> memref<640x64xf32, #tpu.memory_space<vmem>>
      %dma_start3A_287 = arith.constant 0 : i32
      %dma_start3A_288 = arith.constant 0 : i32
      %dma_start3A_289 = tpu.memref_slice %dma_start3A_286[%dma_start3A_287, %dma_start3A_288] : memref<640x64xf32, #tpu.memory_space<vmem>> -> memref<128x64xf32, #tpu.memory_space<vmem>>
      %dma_start3A_290 = tpu.memref_slice %arg5[%add3A_281] : memref<25600xi32, #tpu.memory_space<vmem>> -> memref<128xi32, #tpu.memory_space<vmem>>
      %dma_start3A_291 = arith.constant 0 : i32
      %dma_start3A_292 = arith.constant 0 : i32
      %dma_start3A_293 = tpu.memref_slice %arg2[%dma_start3A_291, %dma_start3A_292] : memref<1015808x64xf32, #tpu.memory_space<hbm>> -> memref<1015808x64xf32, #tpu.memory_space<hbm>>
      tpu.enqueue_indirect_dma source(%dma_start3A_293 : memref<1015808x64xf32, #tpu.memory_space<hbm>>) target(%dma_start3A_289 : memref<128x64xf32, #tpu.memory_space<vmem>>) offsets(%dma_start3A_290 : memref<128xi32, #tpu.memory_space<vmem>>) semaphore(%arg7 : memref<!tpu.dma_semaphore, #tpu.memory_space<semaphore_mem>>)
      %mul3A_294 = arith.constant 640 : i32
      %mul3A_295 = arith.muli %add3A_277, %mul3A_294 : i32
      %add3A_296 = arith.constant 128 : i32
      %add3A_297 = arith.addi %mul3A_295, %add3A_296 : i32
      %dma_start3A_298 = arith.constant 0 : i32
      %dma_start3A_299 = arith.constant 0 : i32
      %dma_start3A_300 = arith.constant 0 : i32
      %dma_start3A_301 = tpu.memref_slice %arg6[%dma_start3A_298, %dma_start3A_299, %dma_start3A_300] : memref<2x640x64xf32, #tpu.memory_space<vmem>> -> memref<1x640x64xf32, #tpu.memory_space<vmem>>
      %dma_start3A_302 = tpu.memref_squeeze %dma_start3A_301 : memref<1x640x64xf32, #tpu.memory_space<vmem>> -> memref<640x64xf32, #tpu.memory_space<vmem>>
      %dma_start3A_303 = arith.constant 128 : i32
      %dma_start3A_304 = arith.constant 0 : i32
      %dma_start3A_305 = tpu.memref_slice %dma_start3A_302[%dma_start3A_303, %dma_start3A_304] : memref<640x64xf32, #tpu.memory_space<vmem>> -> memref<128x64xf32, #tpu.memory_space<vmem>>
      %dma_start3A_306 = tpu.memref_slice %arg5[%add3A_297] : memref<25600xi32, #tpu.memory_space<vmem>> -> memref<128xi32, #tpu.memory_space<vmem>>
      %dma_start3A_307 = arith.constant 0 : i32
      %dma_start3A_308 = arith.constant 0 : i32
      %dma_start3A_309 = tpu.memref_slice %arg2[%dma_start3A_307, %dma_start3A_308] : memref<1015808x64xf32, #tpu.memory_space<hbm>> -> memref<1015808x64xf32, #tpu.memory_space<hbm>>
      tpu.enqueue_indirect_dma source(%dma_start3A_309 : memref<1015808x64xf32, #tpu.memory_space<hbm>>) target(%dma_start3A_305 : memref<128x64xf32, #tpu.memory_space<vmem>>) offsets(%dma_start3A_306 : memref<128xi32, #tpu.memory_space<vmem>>) semaphore(%arg7 : memref<!tpu.dma_semaphore, #tpu.memory_space<semaphore_mem>>)
      %mul3A_310 = arith.constant 640 : i32
      %mul3A_311 = arith.muli %add3A_277, %mul3A_310 : i32
      %add3A_312 = arith.constant 256 : i32
      %add3A_313 = arith.addi %mul3A_311, %add3A_312 : i32
      %dma_start3A_314 = arith.constant 0 : i32
      %dma_start3A_315 = arith.constant 0 : i32
      %dma_start3A_316 = arith.constant 0 : i32
      %dma_start3A_317 = tpu.memref_slice %arg6[%dma_start3A_314, %dma_start3A_315, %dma_start3A_316] : memref<2x640x64xf32, #tpu.memory_space<vmem>> -> memref<1x640x64xf32, #tpu.memory_space<vmem>>
      %dma_start3A_318 = tpu.memref_squeeze %dma_start3A_317 : memref<1x640x64xf32, #tpu.memory_space<vmem>> -> memref<640x64xf32, #tpu.memory_space<vmem>>
      %dma_start3A_319 = arith.constant 256 : i32
      %dma_start3A_320 = arith.constant 0 : i32
      %dma_start3A_321 = tpu.memref_slice %dma_start3A_318[%dma_start3A_319, %dma_start3A_320] : memref<640x64xf32, #tpu.memory_space<vmem>> -> memref<128x64xf32, #tpu.memory_space<vmem>>
      %dma_start3A_322 = tpu.memref_slice %arg5[%add3A_313] : memref<25600xi32, #tpu.memory_space<vmem>> -> memref<128xi32, #tpu.memory_space<vmem>>
      %dma_start3A_323 = arith.constant 0 : i32
      %dma_start3A_324 = arith.constant 0 : i32
      %dma_start3A_325 = tpu.memref_slice %arg2[%dma_start3A_323, %dma_start3A_324] : memref<1015808x64xf32, #tpu.memory_space<hbm>> -> memref<1015808x64xf32, #tpu.memory_space<hbm>>
      tpu.enqueue_indirect_dma source(%dma_start3A_325 : memref<1015808x64xf32, #tpu.memory_space<hbm>>) target(%dma_start3A_321 : memref<128x64xf32, #tpu.memory_space<vmem>>) offsets(%dma_start3A_322 : memref<128xi32, #tpu.memory_space<vmem>>) semaphore(%arg7 : memref<!tpu.dma_semaphore, #tpu.memory_space<semaphore_mem>>)
      %mul3A_326 = arith.constant 640 : i32
      %mul3A_327 = arith.muli %add3A_277, %mul3A_326 : i32
      %add3A_328 = arith.constant 384 : i32
      %add3A_329 = arith.addi %mul3A_327, %add3A_328 : i32
      %dma_start3A_330 = arith.constant 0 : i32
      %dma_start3A_331 = arith.constant 0 : i32
      %dma_start3A_332 = arith.constant 0 : i32
      %dma_start3A_333 = tpu.memref_slice %arg6[%dma_start3A_330, %dma_start3A_331, %dma_start3A_332] : memref<2x640x64xf32, #tpu.memory_space<vmem>> -> memref<1x640x64xf32, #tpu.memory_space<vmem>>
      %dma_start3A_334 = tpu.memref_squeeze %dma_start3A_333 : memref<1x640x64xf32, #tpu.memory_space<vmem>> -> memref<640x64xf32, #tpu.memory_space<vmem>>
      %dma_start3A_335 = arith.constant 384 : i32
      %dma_start3A_336 = arith.constant 0 : i32
      %dma_start3A_337 = tpu.memref_slice %dma_start3A_334[%dma_start3A_335, %dma_start3A_336] : memref<640x64xf32, #tpu.memory_space<vmem>> -> memref<128x64xf32, #tpu.memory_space<vmem>>
      %dma_start3A_338 = tpu.memref_slice %arg5[%add3A_329] : memref<25600xi32, #tpu.memory_space<vmem>> -> memref<128xi32, #tpu.memory_space<vmem>>
      %dma_start3A_339 = arith.constant 0 : i32
      %dma_start3A_340 = arith.constant 0 : i32
      %dma_start3A_341 = tpu.memref_slice %arg2[%dma_start3A_339, %dma_start3A_340] : memref<1015808x64xf32, #tpu.memory_space<hbm>> -> memref<1015808x64xf32, #tpu.memory_space<hbm>>
      tpu.enqueue_indirect_dma source(%dma_start3A_341 : memref<1015808x64xf32, #tpu.memory_space<hbm>>) target(%dma_start3A_337 : memref<128x64xf32, #tpu.memory_space<vmem>>) offsets(%dma_start3A_338 : memref<128xi32, #tpu.memory_space<vmem>>) semaphore(%arg7 : memref<!tpu.dma_semaphore, #tpu.memory_space<semaphore_mem>>)
      %mul3A_342 = arith.constant 640 : i32
      %mul3A_343 = arith.muli %add3A_277, %mul3A_342 : i32
      %add3A_344 = arith.constant 512 : i32
      %add3A_345 = arith.addi %mul3A_343, %add3A_344 : i32
      %dma_start3A_346 = arith.constant 0 : i32
      %dma_start3A_347 = arith.constant 0 : i32
      %dma_start3A_348 = arith.constant 0 : i32
      %dma_start3A_349 = tpu.memref_slice %arg6[%dma_start3A_346, %dma_start3A_347, %dma_start3A_348] : memref<2x640x64xf32, #tpu.memory_space<vmem>> -> memref<1x640x64xf32, #tpu.memory_space<vmem>>
      %dma_start3A_350 = tpu.memref_squeeze %dma_start3A_349 : memref<1x640x64xf32, #tpu.memory_space<vmem>> -> memref<640x64xf32, #tpu.memory_space<vmem>>
      %dma_start3A_351 = arith.constant 512 : i32
      %dma_start3A_352 = arith.constant 0 : i32
      %dma_start3A_353 = tpu.memref_slice %dma_start3A_350[%dma_start3A_351, %dma_start3A_352] : memref<640x64xf32, #tpu.memory_space<vmem>> -> memref<128x64xf32, #tpu.memory_space<vmem>>
      %dma_start3A_354 = tpu.memref_slice %arg5[%add3A_345] : memref<25600xi32, #tpu.memory_space<vmem>> -> memref<128xi32, #tpu.memory_space<vmem>>
      %dma_start3A_355 = arith.constant 0 : i32
      %dma_start3A_356 = arith.constant 0 : i32
      %dma_start3A_357 = tpu.memref_slice %arg2[%dma_start3A_355, %dma_start3A_356] : memref<1015808x64xf32, #tpu.memory_space<hbm>> -> memref<1015808x64xf32, #tpu.memory_space<hbm>>
      tpu.enqueue_indirect_dma source(%dma_start3A_357 : memref<1015808x64xf32, #tpu.memory_space<hbm>>) target(%dma_start3A_353 : memref<128x64xf32, #tpu.memory_space<vmem>>) offsets(%dma_start3A_354 : memref<128xi32, #tpu.memory_space<vmem>>) semaphore(%arg7 : memref<!tpu.dma_semaphore, #tpu.memory_space<semaphore_mem>>)
      %dma_wait3A_358 = arith.constant 1 : i32
      %dma_wait3A_359 = arith.constant 0 : i32
      %dma_wait3A_360 = arith.constant 0 : i32
      %dma_wait3A_361 = tpu.memref_slice %arg6[%dma_wait3A_358, %dma_wait3A_359, %dma_wait3A_360] : memref<2x640x64xf32, #tpu.memory_space<vmem>> -> memref<1x640x64xf32, #tpu.memory_space<vmem>>
      %dma_wait3A_362 = tpu.memref_squeeze %dma_wait3A_361 : memref<1x640x64xf32, #tpu.memory_space<vmem>> -> memref<640x64xf32, #tpu.memory_space<vmem>>
      %dma_wait3A_363 = arith.constant 0 : i32
      %dma_wait3A_364 = arith.constant 0 : i32
      %dma_wait3A_365 = tpu.memref_slice %arg2[%dma_wait3A_363, %dma_wait3A_364] : memref<1015808x64xf32, #tpu.memory_space<hbm>> -> memref<640x64xf32, #tpu.memory_space<hbm>>
      %dma_wait3A_366 = arith.constant 0 : i32
      %dma_wait3A_367 = arith.constant 0 : i32
      %dma_wait3A_368 = tpu.memref_slice %arg6[%dma_wait3A_358, %dma_wait3A_366, %dma_wait3A_367] : memref<2x640x64xf32, #tpu.memory_space<vmem>> -> memref<1x640x64xf32, #tpu.memory_space<vmem>>
      %dma_wait3A_369 = tpu.memref_squeeze %dma_wait3A_368 : memref<1x640x64xf32, #tpu.memory_space<vmem>> -> memref<640x64xf32, #tpu.memory_space<vmem>>
      %dma_wait3A_370 = arith.constant 0 : i32
      %dma_wait3A_371 = arith.constant 0 : i32
      %dma_wait3A_372 = tpu.memref_slice %arg2[%dma_wait3A_370, %dma_wait3A_371] : memref<1015808x64xf32, #tpu.memory_space<hbm>> -> memref<640x64xf32, #tpu.memory_space<hbm>>
      tpu.wait_dma2 semaphore(%arg8 : memref<!tpu.dma_semaphore, #tpu.memory_space<semaphore_mem>>) src(%dma_wait3A_372 : memref<640x64xf32, #tpu.memory_space<hbm>>) dst(%dma_wait3A_369 : memref<640x64xf32, #tpu.memory_space<vmem>>)
      %add3A_373 = arith.constant 1 : i32
      %add3A_374 = arith.addi %add3A_229, %add3A_373 : i32
      %mul3A_375 = arith.constant 640 : i32
      %mul3A_376 = arith.muli %add3A_374, %mul3A_375 : i32
      %add3A_377 = arith.addi %mul3A_2, %mul3A_376 : i32
      %dma_start3A_378 = arith.constant 1 : i32
      %dma_start3A_379 = arith.constant 0 : i32
      %dma_start3A_380 = arith.constant 0 : i32
      %dma_start3A_381 = tpu.memref_slice %arg6[%dma_start3A_378, %dma_start3A_379, %dma_start3A_380] : memref<2x640x64xf32, #tpu.memory_space<vmem>> -> memref<1x640x64xf32, #tpu.memory_space<vmem>>
      %dma_start3A_382 = tpu.memref_squeeze %dma_start3A_381 : memref<1x640x64xf32, #tpu.memory_space<vmem>> -> memref<640x64xf32, #tpu.memory_space<vmem>>
      %dma_start3A_383 = arith.constant 0 : i32
      %dma_start3A_384 = tpu.memref_slice %arg4[%add3A_377, %dma_start3A_383] : memref<819200x64xf32, #tpu.memory_space<hbm>> -> memref<640x64xf32, #tpu.memory_space<hbm>>
      %dma_start3A_385 = arith.constant 0 : i32
      %dma_start3A_386 = tpu.memref_slice %arg4[%add3A_377, %dma_start3A_385] : memref<819200x64xf32, #tpu.memory_space<hbm>> -> memref<640x64xf32, #tpu.memory_space<hbm>>
      %dma_start3A_387 = arith.constant 0 : i32
      %dma_start3A_388 = arith.constant 0 : i32
      %dma_start3A_389 = tpu.memref_slice %arg6[%dma_start3A_378, %dma_start3A_387, %dma_start3A_388] : memref<2x640x64xf32, #tpu.memory_space<vmem>> -> memref<1x640x64xf32, #tpu.memory_space<vmem>>
      %dma_start3A_390 = tpu.memref_squeeze %dma_start3A_389 : memref<1x640x64xf32, #tpu.memory_space<vmem>> -> memref<640x64xf32, #tpu.memory_space<vmem>>
      tpu.enqueue_dma source(%dma_start3A_390 : memref<640x64xf32, #tpu.memory_space<vmem>>) target(%dma_start3A_386 : memref<640x64xf32, #tpu.memory_space<hbm>>) target_semaphore(%arg10 : memref<!tpu.dma_semaphore, #tpu.memory_space<semaphore_mem>>)
      %dma_wait3A_391 = arith.constant 1 : i32
      %dma_wait3A_392 = arith.constant 0 : i32
      %dma_wait3A_393 = arith.constant 0 : i32
      %dma_wait3A_394 = tpu.memref_slice %arg6[%dma_wait3A_391, %dma_wait3A_392, %dma_wait3A_393] : memref<2x640x64xf32, #tpu.memory_space<vmem>> -> memref<1x640x64xf32, #tpu.memory_space<vmem>>
      %dma_wait3A_395 = tpu.memref_squeeze %dma_wait3A_394 : memref<1x640x64xf32, #tpu.memory_space<vmem>> -> memref<640x64xf32, #tpu.memory_space<vmem>>
      %dma_wait3A_396 = arith.constant 0 : i32
      %dma_wait3A_397 = arith.constant 0 : i32
      %dma_wait3A_398 = tpu.memref_slice %arg2[%dma_wait3A_396, %dma_wait3A_397] : memref<1015808x64xf32, #tpu.memory_space<hbm>> -> memref<640x64xf32, #tpu.memory_space<hbm>>
      %dma_wait3A_399 = arith.constant 0 : i32
      %dma_wait3A_400 = arith.constant 0 : i32
      %dma_wait3A_401 = tpu.memref_slice %arg6[%dma_wait3A_391, %dma_wait3A_399, %dma_wait3A_400] : memref<2x640x64xf32, #tpu.memory_space<vmem>> -> memref<1x640x64xf32, #tpu.memory_space<vmem>>
      %dma_wait3A_402 = tpu.memref_squeeze %dma_wait3A_401 : memref<1x640x64xf32, #tpu.memory_space<vmem>> -> memref<640x64xf32, #tpu.memory_space<vmem>>
      %dma_wait3A_403 = arith.constant 0 : i32
      %dma_wait3A_404 = arith.constant 0 : i32
      %dma_wait3A_405 = tpu.memref_slice %arg2[%dma_wait3A_403, %dma_wait3A_404] : memref<1015808x64xf32, #tpu.memory_space<hbm>> -> memref<640x64xf32, #tpu.memory_space<hbm>>
      tpu.wait_dma2 semaphore(%arg10 : memref<!tpu.dma_semaphore, #tpu.memory_space<semaphore_mem>>) src(%dma_wait3A_405 : memref<640x64xf32, #tpu.memory_space<hbm>>) dst(%dma_wait3A_402 : memref<640x64xf32, #tpu.memory_space<vmem>>)
      %add3A_406 = arith.constant 3 : i32
      %add3A_407 = arith.addi %add3A_229, %add3A_406 : i32
      %mul3A_408 = arith.constant 640 : i32
      %mul3A_409 = arith.muli %add3A_407, %mul3A_408 : i32
      %add3A_410 = arith.constant 0 : i32
      %add3A_411 = arith.addi %mul3A_409, %add3A_410 : i32
      %dma_start3A_412 = arith.constant 1 : i32
      %dma_start3A_413 = arith.constant 0 : i32
      %dma_start3A_414 = arith.constant 0 : i32
      %dma_start3A_415 = tpu.memref_slice %arg6[%dma_start3A_412, %dma_start3A_413, %dma_start3A_414] : memref<2x640x64xf32, #tpu.memory_space<vmem>> -> memref<1x640x64xf32, #tpu.memory_space<vmem>>
      %dma_start3A_416 = tpu.memref_squeeze %dma_start3A_415 : memref<1x640x64xf32, #tpu.memory_space<vmem>> -> memref<640x64xf32, #tpu.memory_space<vmem>>
      %dma_start3A_417 = arith.constant 0 : i32
      %dma_start3A_418 = arith.constant 0 : i32
      %dma_start3A_419 = tpu.memref_slice %dma_start3A_416[%dma_start3A_417, %dma_start3A_418] : memref<640x64xf32, #tpu.memory_space<vmem>> -> memref<128x64xf32, #tpu.memory_space<vmem>>
      %dma_start3A_420 = tpu.memref_slice %arg5[%add3A_411] : memref<25600xi32, #tpu.memory_space<vmem>> -> memref<128xi32, #tpu.memory_space<vmem>>
      %dma_start3A_421 = arith.constant 0 : i32
      %dma_start3A_422 = arith.constant 0 : i32
      %dma_start3A_423 = tpu.memref_slice %arg2[%dma_start3A_421, %dma_start3A_422] : memref<1015808x64xf32, #tpu.memory_space<hbm>> -> memref<1015808x64xf32, #tpu.memory_space<hbm>>
      tpu.enqueue_indirect_dma source(%dma_start3A_423 : memref<1015808x64xf32, #tpu.memory_space<hbm>>) target(%dma_start3A_419 : memref<128x64xf32, #tpu.memory_space<vmem>>) offsets(%dma_start3A_420 : memref<128xi32, #tpu.memory_space<vmem>>) semaphore(%arg8 : memref<!tpu.dma_semaphore, #tpu.memory_space<semaphore_mem>>)
      %mul3A_424 = arith.constant 640 : i32
      %mul3A_425 = arith.muli %add3A_407, %mul3A_424 : i32
      %add3A_426 = arith.constant 128 : i32
      %add3A_427 = arith.addi %mul3A_425, %add3A_426 : i32
      %dma_start3A_428 = arith.constant 1 : i32
      %dma_start3A_429 = arith.constant 0 : i32
      %dma_start3A_430 = arith.constant 0 : i32
      %dma_start3A_431 = tpu.memref_slice %arg6[%dma_start3A_428, %dma_start3A_429, %dma_start3A_430] : memref<2x640x64xf32, #tpu.memory_space<vmem>> -> memref<1x640x64xf32, #tpu.memory_space<vmem>>
      %dma_start3A_432 = tpu.memref_squeeze %dma_start3A_431 : memref<1x640x64xf32, #tpu.memory_space<vmem>> -> memref<640x64xf32, #tpu.memory_space<vmem>>
      %dma_start3A_433 = arith.constant 128 : i32
      %dma_start3A_434 = arith.constant 0 : i32
      %dma_start3A_435 = tpu.memref_slice %dma_start3A_432[%dma_start3A_433, %dma_start3A_434] : memref<640x64xf32, #tpu.memory_space<vmem>> -> memref<128x64xf32, #tpu.memory_space<vmem>>
      %dma_start3A_436 = tpu.memref_slice %arg5[%add3A_427] : memref<25600xi32, #tpu.memory_space<vmem>> -> memref<128xi32, #tpu.memory_space<vmem>>
      %dma_start3A_437 = arith.constant 0 : i32
      %dma_start3A_438 = arith.constant 0 : i32
      %dma_start3A_439 = tpu.memref_slice %arg2[%dma_start3A_437, %dma_start3A_438] : memref<1015808x64xf32, #tpu.memory_space<hbm>> -> memref<1015808x64xf32, #tpu.memory_space<hbm>>
      tpu.enqueue_indirect_dma source(%dma_start3A_439 : memref<1015808x64xf32, #tpu.memory_space<hbm>>) target(%dma_start3A_435 : memref<128x64xf32, #tpu.memory_space<vmem>>) offsets(%dma_start3A_436 : memref<128xi32, #tpu.memory_space<vmem>>) semaphore(%arg8 : memref<!tpu.dma_semaphore, #tpu.memory_space<semaphore_mem>>)
      %mul3A_440 = arith.constant 640 : i32
      %mul3A_441 = arith.muli %add3A_407, %mul3A_440 : i32
      %add3A_442 = arith.constant 256 : i32
      %add3A_443 = arith.addi %mul3A_441, %add3A_442 : i32
      %dma_start3A_444 = arith.constant 1 : i32
      %dma_start3A_445 = arith.constant 0 : i32
      %dma_start3A_446 = arith.constant 0 : i32
      %dma_start3A_447 = tpu.memref_slice %arg6[%dma_start3A_444, %dma_start3A_445, %dma_start3A_446] : memref<2x640x64xf32, #tpu.memory_space<vmem>> -> memref<1x640x64xf32, #tpu.memory_space<vmem>>
      %dma_start3A_448 = tpu.memref_squeeze %dma_start3A_447 : memref<1x640x64xf32, #tpu.memory_space<vmem>> -> memref<640x64xf32, #tpu.memory_space<vmem>>
      %dma_start3A_449 = arith.constant 256 : i32
      %dma_start3A_450 = arith.constant 0 : i32
      %dma_start3A_451 = tpu.memref_slice %dma_start3A_448[%dma_start3A_449, %dma_start3A_450] : memref<640x64xf32, #tpu.memory_space<vmem>> -> memref<128x64xf32, #tpu.memory_space<vmem>>
      %dma_start3A_452 = tpu.memref_slice %arg5[%add3A_443] : memref<25600xi32, #tpu.memory_space<vmem>> -> memref<128xi32, #tpu.memory_space<vmem>>
      %dma_start3A_453 = arith.constant 0 : i32
      %dma_start3A_454 = arith.constant 0 : i32
      %dma_start3A_455 = tpu.memref_slice %arg2[%dma_start3A_453, %dma_start3A_454] : memref<1015808x64xf32, #tpu.memory_space<hbm>> -> memref<1015808x64xf32, #tpu.memory_space<hbm>>
      tpu.enqueue_indirect_dma source(%dma_start3A_455 : memref<1015808x64xf32, #tpu.memory_space<hbm>>) target(%dma_start3A_451 : memref<128x64xf32, #tpu.memory_space<vmem>>) offsets(%dma_start3A_452 : memref<128xi32, #tpu.memory_space<vmem>>) semaphore(%arg8 : memref<!tpu.dma_semaphore, #tpu.memory_space<semaphore_mem>>)
      %mul3A_456 = arith.constant 640 : i32
      %mul3A_457 = arith.muli %add3A_407, %mul3A_456 : i32
      %add3A_458 = arith.constant 384 : i32
      %add3A_459 = arith.addi %mul3A_457, %add3A_458 : i32
      %dma_start3A_460 = arith.constant 1 : i32
      %dma_start3A_461 = arith.constant 0 : i32
      %dma_start3A_462 = arith.constant 0 : i32
      %dma_start3A_463 = tpu.memref_slice %arg6[%dma_start3A_460, %dma_start3A_461, %dma_start3A_462] : memref<2x640x64xf32, #tpu.memory_space<vmem>> -> memref<1x640x64xf32, #tpu.memory_space<vmem>>
      %dma_start3A_464 = tpu.memref_squeeze %dma_start3A_463 : memref<1x640x64xf32, #tpu.memory_space<vmem>> -> memref<640x64xf32, #tpu.memory_space<vmem>>
      %dma_start3A_465 = arith.constant 384 : i32
      %dma_start3A_466 = arith.constant 0 : i32
      %dma_start3A_467 = tpu.memref_slice %dma_start3A_464[%dma_start3A_465, %dma_start3A_466] : memref<640x64xf32, #tpu.memory_space<vmem>> -> memref<128x64xf32, #tpu.memory_space<vmem>>
      %dma_start3A_468 = tpu.memref_slice %arg5[%add3A_459] : memref<25600xi32, #tpu.memory_space<vmem>> -> memref<128xi32, #tpu.memory_space<vmem>>
      %dma_start3A_469 = arith.constant 0 : i32
      %dma_start3A_470 = arith.constant 0 : i32
      %dma_start3A_471 = tpu.memref_slice %arg2[%dma_start3A_469, %dma_start3A_470] : memref<1015808x64xf32, #tpu.memory_space<hbm>> -> memref<1015808x64xf32, #tpu.memory_space<hbm>>
      tpu.enqueue_indirect_dma source(%dma_start3A_471 : memref<1015808x64xf32, #tpu.memory_space<hbm>>) target(%dma_start3A_467 : memref<128x64xf32, #tpu.memory_space<vmem>>) offsets(%dma_start3A_468 : memref<128xi32, #tpu.memory_space<vmem>>) semaphore(%arg8 : memref<!tpu.dma_semaphore, #tpu.memory_space<semaphore_mem>>)
      %mul3A_472 = arith.constant 640 : i32
      %mul3A_473 = arith.muli %add3A_407, %mul3A_472 : i32
      %add3A_474 = arith.constant 512 : i32
      %add3A_475 = arith.addi %mul3A_473, %add3A_474 : i32
      %dma_start3A_476 = arith.constant 1 : i32
      %dma_start3A_477 = arith.constant 0 : i32
      %dma_start3A_478 = arith.constant 0 : i32
      %dma_start3A_479 = tpu.memref_slice %arg6[%dma_start3A_476, %dma_start3A_477, %dma_start3A_478] : memref<2x640x64xf32, #tpu.memory_space<vmem>> -> memref<1x640x64xf32, #tpu.memory_space<vmem>>
      %dma_start3A_480 = tpu.memref_squeeze %dma_start3A_479 : memref<1x640x64xf32, #tpu.memory_space<vmem>> -> memref<640x64xf32, #tpu.memory_space<vmem>>
      %dma_start3A_481 = arith.constant 512 : i32
      %dma_start3A_482 = arith.constant 0 : i32
      %dma_start3A_483 = tpu.memref_slice %dma_start3A_480[%dma_start3A_481, %dma_start3A_482] : memref<640x64xf32, #tpu.memory_space<vmem>> -> memref<128x64xf32, #tpu.memory_space<vmem>>
      %dma_start3A_484 = tpu.memref_slice %arg5[%add3A_475] : memref<25600xi32, #tpu.memory_space<vmem>> -> memref<128xi32, #tpu.memory_space<vmem>>
      %dma_start3A_485 = arith.constant 0 : i32
      %dma_start3A_486 = arith.constant 0 : i32
      %dma_start3A_487 = tpu.memref_slice %arg2[%dma_start3A_485, %dma_start3A_486] : memref<1015808x64xf32, #tpu.memory_space<hbm>> -> memref<1015808x64xf32, #tpu.memory_space<hbm>>
      tpu.enqueue_indirect_dma source(%dma_start3A_487 : memref<1015808x64xf32, #tpu.memory_space<hbm>>) target(%dma_start3A_483 : memref<128x64xf32, #tpu.memory_space<vmem>>) offsets(%dma_start3A_484 : memref<128xi32, #tpu.memory_space<vmem>>) semaphore(%arg8 : memref<!tpu.dma_semaphore, #tpu.memory_space<semaphore_mem>>)
    }
    %scan3A_135 = arith.constant 19 : i32
    %dma_wait3A = arith.constant 0 : i32
    %dma_wait3A_136 = arith.constant 0 : i32
    %dma_wait3A_137 = arith.constant 0 : i32
    %dma_wait3A_138 = tpu.memref_slice %arg6[%dma_wait3A, %dma_wait3A_136, %dma_wait3A_137] : memref<2x640x64xf32, #tpu.memory_space<vmem>> -> memref<1x640x64xf32, #tpu.memory_space<vmem>>
    %dma_wait3A_139 = tpu.memref_squeeze %dma_wait3A_138 : memref<1x640x64xf32, #tpu.memory_space<vmem>> -> memref<640x64xf32, #tpu.memory_space<vmem>>
    %dma_wait3A_140 = arith.constant 0 : i32
    %dma_wait3A_141 = arith.constant 0 : i32
    %dma_wait3A_142 = tpu.memref_slice %arg2[%dma_wait3A_140, %dma_wait3A_141] : memref<1015808x64xf32, #tpu.memory_space<hbm>> -> memref<640x64xf32, #tpu.memory_space<hbm>>
    %dma_wait3A_143 = arith.constant 0 : i32
    %dma_wait3A_144 = arith.constant 0 : i32
    %dma_wait3A_145 = tpu.memref_slice %arg6[%dma_wait3A, %dma_wait3A_143, %dma_wait3A_144] : memref<2x640x64xf32, #tpu.memory_space<vmem>> -> memref<1x640x64xf32, #tpu.memory_space<vmem>>
    %dma_wait3A_146 = tpu.memref_squeeze %dma_wait3A_145 : memref<1x640x64xf32, #tpu.memory_space<vmem>> -> memref<640x64xf32, #tpu.memory_space<vmem>>
    %dma_wait3A_147 = arith.constant 0 : i32
    %dma_wait3A_148 = arith.constant 0 : i32
    %dma_wait3A_149 = tpu.memref_slice %arg2[%dma_wait3A_147, %dma_wait3A_148] : memref<1015808x64xf32, #tpu.memory_space<hbm>> -> memref<640x64xf32, #tpu.memory_space<hbm>>
    tpu.wait_dma2 semaphore(%arg7 : memref<!tpu.dma_semaphore, #tpu.memory_space<semaphore_mem>>) src(%dma_wait3A_149 : memref<640x64xf32, #tpu.memory_space<hbm>>) dst(%dma_wait3A_146 : memref<640x64xf32, #tpu.memory_space<vmem>>)
    %add3A_150 = arith.constant 24320 : i32
    %add3A_151 = arith.addi %mul3A_2, %add3A_150 : i32
    %dma_start3A_152 = arith.constant 0 : i32
    %dma_start3A_153 = arith.constant 0 : i32
    %dma_start3A_154 = arith.constant 0 : i32
    %dma_start3A_155 = tpu.memref_slice %arg6[%dma_start3A_152, %dma_start3A_153, %dma_start3A_154] : memref<2x640x64xf32, #tpu.memory_space<vmem>> -> memref<1x640x64xf32, #tpu.memory_space<vmem>>
    %dma_start3A_156 = tpu.memref_squeeze %dma_start3A_155 : memref<1x640x64xf32, #tpu.memory_space<vmem>> -> memref<640x64xf32, #tpu.memory_space<vmem>>
    %dma_start3A_157 = arith.constant 0 : i32
    %dma_start3A_158 = tpu.memref_slice %arg4[%add3A_151, %dma_start3A_157] : memref<819200x64xf32, #tpu.memory_space<hbm>> -> memref<640x64xf32, #tpu.memory_space<hbm>>
    %dma_start3A_159 = arith.constant 0 : i32
    %dma_start3A_160 = tpu.memref_slice %arg4[%add3A_151, %dma_start3A_159] : memref<819200x64xf32, #tpu.memory_space<hbm>> -> memref<640x64xf32, #tpu.memory_space<hbm>>
    %dma_start3A_161 = arith.constant 0 : i32
    %dma_start3A_162 = arith.constant 0 : i32
    %dma_start3A_163 = tpu.memref_slice %arg6[%dma_start3A_152, %dma_start3A_161, %dma_start3A_162] : memref<2x640x64xf32, #tpu.memory_space<vmem>> -> memref<1x640x64xf32, #tpu.memory_space<vmem>>
    %dma_start3A_164 = tpu.memref_squeeze %dma_start3A_163 : memref<1x640x64xf32, #tpu.memory_space<vmem>> -> memref<640x64xf32, #tpu.memory_space<vmem>>
    tpu.enqueue_dma source(%dma_start3A_164 : memref<640x64xf32, #tpu.memory_space<vmem>>) target(%dma_start3A_160 : memref<640x64xf32, #tpu.memory_space<hbm>>) target_semaphore(%arg9 : memref<!tpu.dma_semaphore, #tpu.memory_space<semaphore_mem>>)
    %dma_wait3A_165 = arith.constant 1 : i32
    %dma_wait3A_166 = arith.constant 0 : i32
    %dma_wait3A_167 = arith.constant 0 : i32
    %dma_wait3A_168 = tpu.memref_slice %arg6[%dma_wait3A_165, %dma_wait3A_166, %dma_wait3A_167] : memref<2x640x64xf32, #tpu.memory_space<vmem>> -> memref<1x640x64xf32, #tpu.memory_space<vmem>>
    %dma_wait3A_169 = tpu.memref_squeeze %dma_wait3A_168 : memref<1x640x64xf32, #tpu.memory_space<vmem>> -> memref<640x64xf32, #tpu.memory_space<vmem>>
    %dma_wait3A_170 = arith.constant 0 : i32
    %dma_wait3A_171 = arith.constant 0 : i32
    %dma_wait3A_172 = tpu.memref_slice %arg2[%dma_wait3A_170, %dma_wait3A_171] : memref<1015808x64xf32, #tpu.memory_space<hbm>> -> memref<640x64xf32, #tpu.memory_space<hbm>>
    %dma_wait3A_173 = arith.constant 0 : i32
    %dma_wait3A_174 = arith.constant 0 : i32
    %dma_wait3A_175 = tpu.memref_slice %arg6[%dma_wait3A_165, %dma_wait3A_173, %dma_wait3A_174] : memref<2x640x64xf32, #tpu.memory_space<vmem>> -> memref<1x640x64xf32, #tpu.memory_space<vmem>>
    %dma_wait3A_176 = tpu.memref_squeeze %dma_wait3A_175 : memref<1x640x64xf32, #tpu.memory_space<vmem>> -> memref<640x64xf32, #tpu.memory_space<vmem>>
    %dma_wait3A_177 = arith.constant 0 : i32
    %dma_wait3A_178 = arith.constant 0 : i32
    %dma_wait3A_179 = tpu.memref_slice %arg2[%dma_wait3A_177, %dma_wait3A_178] : memref<1015808x64xf32, #tpu.memory_space<hbm>> -> memref<640x64xf32, #tpu.memory_space<hbm>>
    tpu.wait_dma2 semaphore(%arg8 : memref<!tpu.dma_semaphore, #tpu.memory_space<semaphore_mem>>) src(%dma_wait3A_179 : memref<640x64xf32, #tpu.memory_space<hbm>>) dst(%dma_wait3A_176 : memref<640x64xf32, #tpu.memory_space<vmem>>)
    %add3A_180 = arith.constant 24960 : i32
    %add3A_181 = arith.addi %mul3A_2, %add3A_180 : i32
    %dma_start3A_182 = arith.constant 1 : i32
    %dma_start3A_183 = arith.constant 0 : i32
    %dma_start3A_184 = arith.constant 0 : i32
    %dma_start3A_185 = tpu.memref_slice %arg6[%dma_start3A_182, %dma_start3A_183, %dma_start3A_184] : memref<2x640x64xf32, #tpu.memory_space<vmem>> -> memref<1x640x64xf32, #tpu.memory_space<vmem>>
    %dma_start3A_186 = tpu.memref_squeeze %dma_start3A_185 : memref<1x640x64xf32, #tpu.memory_space<vmem>> -> memref<640x64xf32, #tpu.memory_space<vmem>>
    %dma_start3A_187 = arith.constant 0 : i32
    %dma_start3A_188 = tpu.memref_slice %arg4[%add3A_181, %dma_start3A_187] : memref<819200x64xf32, #tpu.memory_space<hbm>> -> memref<640x64xf32, #tpu.memory_space<hbm>>
    %dma_start3A_189 = arith.constant 0 : i32
    %dma_start3A_190 = tpu.memref_slice %arg4[%add3A_181, %dma_start3A_189] : memref<819200x64xf32, #tpu.memory_space<hbm>> -> memref<640x64xf32, #tpu.memory_space<hbm>>
    %dma_start3A_191 = arith.constant 0 : i32
    %dma_start3A_192 = arith.constant 0 : i32
    %dma_start3A_193 = tpu.memref_slice %arg6[%dma_start3A_182, %dma_start3A_191, %dma_start3A_192] : memref<2x640x64xf32, #tpu.memory_space<vmem>> -> memref<1x640x64xf32, #tpu.memory_space<vmem>>
    %dma_start3A_194 = tpu.memref_squeeze %dma_start3A_193 : memref<1x640x64xf32, #tpu.memory_space<vmem>> -> memref<640x64xf32, #tpu.memory_space<vmem>>
    tpu.enqueue_dma source(%dma_start3A_194 : memref<640x64xf32, #tpu.memory_space<vmem>>) target(%dma_start3A_190 : memref<640x64xf32, #tpu.memory_space<hbm>>) target_semaphore(%arg10 : memref<!tpu.dma_semaphore, #tpu.memory_space<semaphore_mem>>)
    %dma_wait3A_195 = arith.constant 0 : i32
    %dma_wait3A_196 = arith.constant 0 : i32
    %dma_wait3A_197 = arith.constant 0 : i32
    %dma_wait3A_198 = tpu.memref_slice %arg6[%dma_wait3A_195, %dma_wait3A_196, %dma_wait3A_197] : memref<2x640x64xf32, #tpu.memory_space<vmem>> -> memref<1x640x64xf32, #tpu.memory_space<vmem>>
    %dma_wait3A_199 = tpu.memref_squeeze %dma_wait3A_198 : memref<1x640x64xf32, #tpu.memory_space<vmem>> -> memref<640x64xf32, #tpu.memory_space<vmem>>
    %dma_wait3A_200 = arith.constant 0 : i32
    %dma_wait3A_201 = arith.constant 0 : i32
    %dma_wait3A_202 = tpu.memref_slice %arg2[%dma_wait3A_200, %dma_wait3A_201] : memref<1015808x64xf32, #tpu.memory_space<hbm>> -> memref<640x64xf32, #tpu.memory_space<hbm>>
    %dma_wait3A_203 = arith.constant 0 : i32
    %dma_wait3A_204 = arith.constant 0 : i32
    %dma_wait3A_205 = tpu.memref_slice %arg6[%dma_wait3A_195, %dma_wait3A_203, %dma_wait3A_204] : memref<2x640x64xf32, #tpu.memory_space<vmem>> -> memref<1x640x64xf32, #tpu.memory_space<vmem>>
    %dma_wait3A_206 = tpu.memref_squeeze %dma_wait3A_205 : memref<1x640x64xf32, #tpu.memory_space<vmem>> -> memref<640x64xf32, #tpu.memory_space<vmem>>
    %dma_wait3A_207 = arith.constant 0 : i32
    %dma_wait3A_208 = arith.constant 0 : i32
    %dma_wait3A_209 = tpu.memref_slice %arg2[%dma_wait3A_207, %dma_wait3A_208] : memref<1015808x64xf32, #tpu.memory_space<hbm>> -> memref<640x64xf32, #tpu.memory_space<hbm>>
    tpu.wait_dma2 semaphore(%arg9 : memref<!tpu.dma_semaphore, #tpu.memory_space<semaphore_mem>>) src(%dma_wait3A_209 : memref<640x64xf32, #tpu.memory_space<hbm>>) dst(%dma_wait3A_206 : memref<640x64xf32, #tpu.memory_space<vmem>>)
    %dma_wait3A_210 = arith.constant 1 : i32
    %dma_wait3A_211 = arith.constant 0 : i32
    %dma_wait3A_212 = arith.constant 0 : i32
    %dma_wait3A_213 = tpu.memref_slice %arg6[%dma_wait3A_210, %dma_wait3A_211, %dma_wait3A_212] : memref<2x640x64xf32, #tpu.memory_space<vmem>> -> memref<1x640x64xf32, #tpu.memory_space<vmem>>
    %dma_wait3A_214 = tpu.memref_squeeze %dma_wait3A_213 : memref<1x640x64xf32, #tpu.memory_space<vmem>> -> memref<640x64xf32, #tpu.memory_space<vmem>>
    %dma_wait3A_215 = arith.constant 0 : i32
    %dma_wait3A_216 = arith.constant 0 : i32
    %dma_wait3A_217 = tpu.memref_slice %arg2[%dma_wait3A_215, %dma_wait3A_216] : memref<1015808x64xf32, #tpu.memory_space<hbm>> -> memref<640x64xf32, #tpu.memory_space<hbm>>
    %dma_wait3A_218 = arith.constant 0 : i32
    %dma_wait3A_219 = arith.constant 0 : i32
    %dma_wait3A_220 = tpu.memref_slice %arg6[%dma_wait3A_210, %dma_wait3A_218, %dma_wait3A_219] : memref<2x640x64xf32, #tpu.memory_space<vmem>> -> memref<1x640x64xf32, #tpu.memory_space<vmem>>
    %dma_wait3A_221 = tpu.memref_squeeze %dma_wait3A_220 : memref<1x640x64xf32, #tpu.memory_space<vmem>> -> memref<640x64xf32, #tpu.memory_space<vmem>>
    %dma_wait3A_222 = arith.constant 0 : i32
    %dma_wait3A_223 = arith.constant 0 : i32
    %dma_wait3A_224 = tpu.memref_slice %arg2[%dma_wait3A_222, %dma_wait3A_223] : memref<1015808x64xf32, #tpu.memory_space<hbm>> -> memref<640x64xf32, #tpu.memory_space<hbm>>
    tpu.wait_dma2 semaphore(%arg10 : memref<!tpu.dma_semaphore, #tpu.memory_space<semaphore_mem>>) src(%dma_wait3A_224 : memref<640x64xf32, #tpu.memory_space<hbm>>) dst(%dma_wait3A_221 : memref<640x64xf32, #tpu.memory_space<vmem>>)
    return
  }
}

module attributes {stable_mosaic.version = 14 : i64} {
  func.func @_pack_block(%arg0: i32, %arg1: memref<64x32768xf32, #tpu.memory_space<vmem>>, %arg2: memref<16384x128xf32, #tpu.memory_space<vmem>>) attributes {dimension_semantics = [#tpu.dimension_semantics<arbitrary>], iteration_bounds = array<i64: 31>, scalar_prefetch = 0 : i64, scratch_operands = 0 : i64, tpu.core_type = #tpu.core_type<tc>, window_params = [{transform_indices = @transform_0, window_bounds = array<i64: 64, 32768>}, {transform_indices = @transform_1, window_bounds = array<i64: 16384, 128>}]} {
    %get3A = arith.constant 0 : index
    %get3A_0 = arith.constant 0 : index
    %get3A_1 = vector.load %arg1[%get3A, %get3A_0] : memref<64x32768xf32, #tpu.memory_space<vmem>>, vector<64x32768xf32>
    %slice3A = vector.extract_strided_slice %get3A_1 {offsets = [0, 0], sizes = [64, 16384], strides = [1, 1]} : vector<64x32768xf32> to vector<64x16384xf32>
    %slice3A_2 = vector.extract_strided_slice %get3A_1 {offsets = [0, 16384], sizes = [64, 16384], strides = [1, 1]} : vector<64x32768xf32> to vector<64x16384xf32>
    %concatenate3A = tpu.concatenate %slice3A, %slice3A_2 in 0 : vector<64x16384xf32>, vector<64x16384xf32> -> vector<128x16384xf32>
    %transpose3A = tpu.transpose %concatenate3A, [1, 0] : vector<128x16384xf32> -> vector<16384x128xf32>
    %swap3A = arith.constant 0 : index
    %swap3A_3 = arith.constant 0 : index
    %swap3A_4 = vector.load %arg2[%swap3A, %swap3A_3] : memref<16384x128xf32, #tpu.memory_space<vmem>>, vector<16384x128xf32>
    tpu.vector_store %arg2[%swap3A, %swap3A_3], %transpose3A {strides = array<i32>} : memref<16384x128xf32, #tpu.memory_space<vmem>>, vector<16384x128xf32>,
    return
  }
  func.func @transform_0(%arg0: i32) -> (i32, i32) {
    %c0_i32 = arith.constant 0 : i32
    %c0_i32_0 = arith.constant 0 : i32
    return %c0_i32, %arg0 : i32, i32
  }
  func.func @transform_1(%arg0: i32) -> (i32, i32) {
    %c0_i32 = arith.constant 0 : i32
    %c0_i32_0 = arith.constant 0 : i32
    return %arg0, %c0_i32 : i32, i32
  }
}

</mosaic_0001>

<sc_bundles>
// kernel: gather_offload_async_start
scs
__scs_entry_jumppad:
0x0: {  	(pc) =	sbr.rel $0x88, $3  }
0x1: {  	(tag) =	ssettag $0x0;
	lr =	simm.s32 $0x1  }
0x2: {  	[smem:$0x3F9F] =	sst lr;
	_ =	strace $0xD0000000  }
0x3: {  	_ = 	snop  }
0x4: {  	_ = 	snop  }
0x5: {  	_ = 	snop  }
0x6: {  	_ = 	snop  }
0x7: {  	_ = 	snop  }
__scs_overlays_trampoline_lowered:
0x8: {  	[smem:$0x3FAE] =	sst s0  }
0x9: {  	[smem:$0x3FAF] =	sst s1  }
0xa: {  	[smem:$0x3FB0] =	sst s2  }
0xb: {  	[smem:$0x3FB1] =	sst s3  }
0xc: {  	[smem:$0x3FB2] =	sst s4  }
0xd: {  	[smem:$0x3FB3] =	sst s5  }
0xe: {  	[smem:$0x3FB4] =	sst s6  }
0xf: {  	[smem:$0x3FB5] =	sst s7  }
0x10: {  	[smem:$0x3FB6] =	sst s8  }
0x11: {  	[smem:$0x3FB7] =	sst s9;
	s0 =	simm.s32 @!p0 $0x0  }
0x12: {  	s1 =	sld [smem:$0x3F9D];
	s0 =	simm.s32 @p0 $0x1  }
0x13: {  	[smem:$0x3FB8] =	sst s0;
	s0 =	simm.s32 @!p1 $0x0  }
0x14: {  	s2 =	sld [smem:$0x3F9C];
	s0 =	simm.s32 @p1 $0x1  }
0x15: {  	[smem:$0x3FB9] =	sst s0;
	s0 =	simm.s32 @!p2 $0x0  }
0x16: {  	s3 =	sld [smem:$0x3FDB];
	s0 =	simm.s32 @p2 $0x1  }
0x17: {  	s4 =	simm.s32 $0x1BF5;
	[smem:$0x3FBB] =	sst s0  }
0x18: {  	s0 =	sld [smem:$0x3F9E];
	_ =	swait.ge [sflag:s4], $0x0  }
0x19: {  	s7 =	sld [smem:$0x3F9F]  }
0x1a: {  	s8 =	sadd.s32 $0xFFFFE003, lr  }
0x1b: {  	s9 =	sadd.s32 $0xFFFFFEF7, lr;
	s5 =	simm.s32 $0xFFFFFFFF;
	p2 =	slt.u32 s8, $0xFFFFF086  }
0x1c: {  	p1 =	slt.u32 s9, $0xF7A;
	s5 =	simm.s32 @!p2 $0x0  }
0x1d: {  	s5 =	simm.s32 @p1 $0x1;
	p0 =	seq.s32 s7, s2  }
0x1e: {  	s7 =	smul.u32 @!p0 $0xF7A, s2;
	p2 =	seq.s32 @!p0 s5, $0x0  }
0x1f: {  	s9 =	smul.u32 $0xF7A, s1;
	s8 =	simm.s32 @!p0 $0x1BF5;
	p2 =	por !p2, p0  }
0x20: {  	[sflag:s8] =	ssyncset.s32 @!p0 $0xFFFFF086;
	s6 =	sadd.s32 @!p0 s3, s7;
	s7 =	simm.s32 @!p0 $0x108  }
0x21: {  	s3 =	sadd.s32 s3, s9;
	s6 =	sadd.s32 @!p0 $0x88, s6;
	s7 =	simm.s32 @p2 $0x1082  }
0x22: {  	[simem:s7], [sflag:s8] =	dma.local @!p0 [hbm:s6], $0xF7A  }
0x23: {  	s9 =	sor.u32 $0xD0000000, s2;
	s6 =	simm.s32 $0x108;
	_ =	swait.ge @!p0 [sflag:s8], $0x0  }
0x24: {  	s3 =	sadd.s32 $0x88, s3;
	s6 =	simm.s32 @!p1 $0x1082;
	[sflag:s4] =	ssyncset.s32 $0xFFFFF086  }
0x25: {  	[simem:s6], [sflag:s4] =	dma.local [hbm:s3], $0xF7A  }
0x26: {  	[smem:$0x3F9F] =	sst s1;
	(tag) =	ssettag s2;
	_ =	strace s9  }
0x27: {  	s1 =	sld [smem:$0x3FAF]  }
0x28: {  	s2 =	sld [smem:$0x3FB0]  }
0x29: {  	s4 =	sld [smem:$0x3FB2]  }
0x2a: {  	p0 =	seq.s32 s5, $0x0;
	s5 =	sld [smem:$0x3FB3]  }
0x2b: {  	s6 =	sld [smem:$0x3FB4]  }
0x2c: {  	s7 =	sld [smem:$0x3FB5]  }
0x2d: {  	s3 =	simm.s32 $0x108;
	s8 =	sld [smem:$0x3FB6]  }
0x2e: {  	s3 =	simm.s32 @!p0 $0x1082;
	s9 =	sld [smem:$0x3FB7]  }
0x2f: {  	lr =	sadd.s32 s0, s3;
	s0 =	sld [smem:$0x3FAE]  }
0x30: {  	s3 =	sld [smem:$0x3FB1]  }
0x31: {  	[smem:$0x3FBA] =	sst s10  }
0x32: {  	s10 =	sld [smem:$0x3FB8];
	_ =	sdelay $0x3  }
0x33: {  	p0 =	seq.s32 s10, $0x1;
	s10 =	sld [smem:$0x3FBA];
	_ =	sdelay $0x3  }
0x34: {  	[smem:$0x3FBA] =	sst s10  }
0x35: {  	s10 =	sld [smem:$0x3FB9];
	_ =	sdelay $0x3  }
0x36: {  	p1 =	seq.s32 s10, $0x1;
	s10 =	sld [smem:$0x3FBA];
	_ =	sdelay $0x3  }
0x37: {  	[smem:$0x3FBA] =	sst s10  }
0x38: {  	s10 =	sld [smem:$0x3FBB]  }
0x39: {  	_ = 	snop;
	(pc) =	sbr.ind lr, $3  }
0x3a: {  	_ = 	snop  }
0x3b: {  	_ = 	snop  }
0x3c: {  	p2 =	seq.s32 s10, $0x1;
	s10 =	sld [smem:$0x3FBA]  }
0x3d: {  	_ =	shalt  }
0x3e: {  	_ =	shalt  }
0x3f: {  	_ =	shalt  }
0x40: {  	_ =	shalt  }
0x41: {  	_ =	shalt  }
0x42: {  	_ =	shalt  }
0x43: {  	_ =	shalt  }
0x44: {  	_ =	shalt  }
0x45: {  	_ =	shalt  }
0x46: {  	_ =	shalt  }
0x47: {  	_ =	shalt  }
0x48: {  	_ =	shalt  }
0x49: {  	_ =	shalt  }
0x4a: {  	_ =	shalt  }
0x4b: {  	_ =	shalt  }
0x4c: {  	_ =	shalt  }
0x4d: {  	_ =	shalt  }
0x4e: {  	_ =	shalt  }
0x4f: {  	_ =	shalt  }
0x50: {  	_ =	shalt  }
0x51: {  	_ =	shalt  }
0x52: {  	_ =	shalt  }
0x53: {  	_ =	shalt  }
0x54: {  	_ =	shalt  }
0x55: {  	_ =	shalt  }
0x56: {  	_ =	shalt  }
0x57: {  	_ =	shalt  }
0x58: {  	_ =	shalt  }
0x59: {  	_ =	shalt  }
0x5a: {  	_ =	shalt  }
0x5b: {  	_ =	shalt  }
0x5c: {  	_ =	shalt  }
0x5d: {  	_ =	shalt  }
0x5e: {  	_ =	shalt  }
0x5f: {  	_ =	shalt  }
0x60: {  	_ =	shalt  }
0x61: {  	_ =	shalt  }
0x62: {  	_ =	shalt  }
0x63: {  	_ =	shalt  }
0x64: {  	_ =	shalt  }
0x65: {  	_ =	shalt  }
0x66: {  	_ =	shalt  }
0x67: {  	_ =	shalt  }
0x68: {  	_ =	shalt  }
0x69: {  	_ =	shalt  }
0x6a: {  	_ =	shalt  }
0x6b: {  	_ =	shalt  }
0x6c: {  	_ =	shalt  }
0x6d: {  	_ =	shalt  }
0x6e: {  	_ =	shalt  }
0x6f: {  	_ =	shalt  }
0x70: {  	_ =	shalt  }
0x71: {  	_ =	shalt  }
0x72: {  	_ =	shalt  }
0x73: {  	_ =	shalt  }
0x74: {  	_ =	shalt  }
0x75: {  	_ =	shalt  }
0x76: {  	_ =	shalt  }
0x77: {  	_ =	shalt  }
0x78: {  	_ =	shalt  }
0x79: {  	_ =	shalt  }
0x7a: {  	_ =	shalt  }
0x7b: {  	_ =	shalt  }
0x7c: {  	_ =	shalt  }
0x7d: {  	_ =	shalt  }
0x7e: {  	_ =	shalt  }
0x7f: {  	_ =	shalt  }
0x80: {  	_ =	shalt  }
0x81: {  	_ =	shalt  }
0x82: {  	_ =	shalt  }
0x83: {  	_ =	shalt  }
0x84: {  	_ =	shalt  }
0x85: {  	_ =	shalt  }
0x86: {  	_ =	shalt  }
0x87: {  	_ =	shalt  }
.Lfunc_end0:
.L_simem_size_0:
called_computation.1_lowered:
.L_overlay_start_0:
0x88: {  	s2 =	sld [smem:$0x3FD9]  }
0x89: {  	s3 =	sld [smem:$0x3FFE];
	_ =	sdelay $0x1  }
0x8a: {  	s1 =	srdreg.scid  }
0x8b: {  	s0 =	sand.u32 $0x1, s1  }
0x8c: {  	s17 =	sshll.u32 s0, $0xA;
	s2 =	sadd.s32 s3, s2  }
0x8d: {  	s2 =	sadd.s32 s2, s17  }
0x8e: {  	[smem:$0x3FC6] =	sst s2  }
0x8f: {  	_ = 	snop  }
0x90: {  	s2 =	sld [smem:$0x3FD0];
	(tm) =	ssettm $0x1  }
0x91: {  	s18 =	sld [smem:$0x3FFB];
	_ =	sdelay $0x3  }
0x92: {  	_ =	strace s18  }
0x93: {  	s3 =	sld [smem:$0x3FFC];
	_ =	sdelay $0x3  }
0x94: {  	_ =	strace s3  }
0x95: {  	s3 =	sld [smem:$0x3FFD];
	_ =	sdelay $0x3  }
0x96: {  	_ =	strace s3  }
0x97: {  	_ =	strace $0x8FFFFFFF  }
0x98: {  	s19 =	sld [smem:$0x3FDB];
	_ =	sdelay $0x1  }
0x99: {  	s4 =	simm.s32 $_scs_section_size  }
0x9a: {  	s5 =	simm.s32 $_size__tile_overlayer_lowered;
	s6 =	simm.s32 $_tile_overlayer_lowered  }
0x9b: {  	s22 =	simm.s32 $0x1BFF;
	s21 =	sshll.u32 s6, $0x1;
	s3 =	sadd.s32 s4, s19  }
0x9c: {  	s7 =	simm.s32 $0x0;
	s20 =	sshll.u32 s5, $0x1;
	s5 =	sadd.s32 s21, s3  }
0x9d: {  	[timem:s7], [sflag:s22] =	dma.local [hbm:s5], s20  }
0x9e: {  	_ =	swait.ge [sflag:s22], s20  }
0x9f: {  	s4 =	ssub.s32 $0x0, s20;
	[sflag:s22] =	ssyncset.done $0x0  }
0xa0: {  	[sflag:s22] =	ssyncadd.s32 s4;
	_ =	sdelay $0x1  }
0xa1: {  	s23 =	simm.s32 $0x1B8B  }
0xa2: {  	_ =	swait.ge [sflag:s23], $0x1  }
0xa3: {  	[sflag:s23] =	ssyncset.done $0x0  }
0xa4: {  	s25 =	simm.s32 $0x1B8E;
	s24 =	sld [smem:$0x3FFE];
	[sflag:s23] =	ssyncadd.s32 $0xFFFFFFFF  }
0xa5: {  	s26 =	simm.s32 $execute0_lowered;
	[smem:$0x3FD2] =	sst s25  }
0xa6: {  	s5 =	sshll.u32 s26, $0x1;
	_ =	strace $0x80000046;
	[dreg:$0x1] =	wrdreg $0xFFFFFFFF  }
0xa7: {  	s28 =	simm.s32 $_size_execute0_lowered;
	s3 =	sadd.s32 s3, s5;
	[dreg:$0x0] =	wrdreg $0x0  }
0xa8: {  	s5 =	sshll.u32 s28, $0x1;
	[dreg:$0x2] =	wrdreg s3  }
0xa9: {  	[dreg:$0x3] =	wrdreg s5  }
0xaa: {  	[dreg:$0x4] =	wrdreg $0xC0  }
0xab: {  	_ =	task [dreg:s7], $0x5FFFF  }
0xac: {  	[dreg:$0x1] =	wrdreg $0xFFFFFFFF  }
0xad: {  	[dreg:$0x0] =	wrdreg $0x60  }
0xae: {  	[dreg:$0x2] =	wrdreg s2  }
0xaf: {  	[dreg:$0x3] =	wrdreg s24  }
0xb0: {  	[dreg:$0x4] =	wrdreg $0x9  }
0xb1: {  	_ =	task.clear_ibuf [dreg:s7], $0x5FFFF;
	_ =	strace $0x90000046  }
0xb2: {  	s29 =	simm.s32 $0x9;
	_ =	strace $0x80000048  }
0xb3: {  	_ =	swait.ge [sflag:s29], $0x1  }
0xb4: {  	[sflag:s29] =	ssyncadd.s32 $0xFFFFFFFF  }
0xb5: {  	_ =	strace $0x90000048  }
0xb6: {  	_ =	sfence  }
0xb7: {  	s30 =	sld [smem:$0x0];
	_ =	sdelay $0x2  }
0xb8: {  	s31 =	sshll.u32 s1, $0xD;
	s1 =	sshrl.u32 s1, $0x2  }
0xb9: {  	s3 =	sand.u32 $0x4000, s31;
	s1 =	sadd.s32 s1, s30  }
0xba: {  	s0 =	sor.u32 s3, s0;
	s1 =	sshll.u32 s1, $0x11  }
0xbb: {  	s0 =	sor.u32 s1, s0  }
0xbc: {  	s0 =	sadd.s32 $0x8F2B, s0  }
0xbd: {  	[sflag:s0] =	ssyncadd.remote.s32 $0x1  }
0xbe: {  	_ =	sfence.sel $0xFFFF  }
0xbf: {  	[dreg:$0x0] =	wrdreg $0xFFFFFFFF;
	(pc) =	sbr.abs _section_cstart, $3  }
0xc0: {  	[dreg:$0x1] =	wrdreg $0xFFFFFFFF  }
0xc1: {  	_ =	task.clear_ibuf [dreg:s7], $0x2FFFF;
	_ =	strace $0x9FFFFFFF  }
0xc2: {  	(tm) =	ssettm $0x7FFFFFFF  }
0xc3: {  	_ =	shalt  }
tec
execute0_lowered:
.L_overlay_start_1:
0x0: {  	(tag) =	ssettag $0x1  }
0x1: {  	s2 =	rddreg [dreg:$0x0];
	s0 =	stileid.u32  }
0x2: {  	s1 =	srdreg.scid;
	s8 =	rddreg [dreg:$0x1]  }
0x3: {  	s5 =	simm.s32 $0x1;
	s9 =	simm.s32 $0x1;
	s10 =	simm.s32 $0x3  }
0x4: {  	s13 =	simm.s32 $0x0;
	s3 =	sand.u32 $0x1, s1;
	s4 =	sshll.u32 s0, $0x1  }
0x5: {  	s12 =	simm.s32 $0x0;
	s1 =	rddreg [dreg:$0x2];
	s6 =	sor.u32 s4, s3  }
0x6: {  	_ =	strace $0x80000047;
	s3 =	sadd.s32 $0xC00, s8;
	s4 =	smul.u32 $0x5000, s6  }
0x7: {  	[sflag:s5] =	ssyncpa.u1 $0x0;
	p0 =	slt.u32 s6, $0x9;
	s6 =	simm.s32 $0xA0000  }
.Ltmp0:
0x8: {  	s6 =	simm.s32 @!p0 $0x0;
	s7 =	ssub.s32 $0xC8000, s4;
	(pc) =	sbr.rel .LBB2_1-.Ltmp0, $4  }
0x9: {  	s9 =	simm.s32 @!p0 $0x0;
	p0 =	sne.s32 s7, s6;
	s7 =	simm.s32 $0x1  }
0xa: {  	s8 =	sadd.s32 $0x19C00, s8;
	s6 =	simm.s32 $0x2;
	s7 =	simm.s32 @!p0 $0x0  }
0xb: {  	s11 =	smov.u32 s4;
	[sflag:s6] =	ssyncpa.u1 $0x0;
	s7 =	sadd.s32 s9, s7  }
0xc: {  	vm0 =	vmmov $0xffff;
	[sflag:s10] =	ssyncpa.u1 $0x0;
	s10 =	simm.s32 $0x0;
	s9 =	sadd.s32 $0x1, s7  }
.LBB2_4:
0xd: {  	v2 =	vnsel vm1, $0x0, v2  }
0xe: {  	vm1 =	vgt.s32 v0, $0x0;
	v2 =	vmin.u32 v2, $0xC7FFF  }
0xf: {  	v0 =	vnsel vm1, $0x0, v0  }
0x10: {  	v0 =	vmin.u32 v0, $0xC7FFF  }
0x11: {  	[tilespmem:s18], [sflag:$0x1] =	stream.indirect_vreg.gather [hbm4b:s2+s10], $0x1, v1, vm0, $0x4038;
	[tilespmem:$0x14000] =	vst v63  }
0x12: {  	(ifvalue) =	ssetifvalue $0x7FFFFFFF  }
0x13: {  	[tilespmem:s15], [sflag:$0x1] =	stream.indirect_vreg.gather [hbm4b:s2+s10], $0x1, v2, vm0, $0x4038;
	[tilespmem:$0x14000] =	vst v63  }
0x14: {  	s29 =	sadd.s32 $0x10, s15;
	(ifvalue) =	ssetifvalue $0x7FFFFFFF  }
0x15: {  	[tilespmem:s29], [sflag:$0x1] =	stream.indirect_vreg.gather [hbm4b:s2+s10], $0x1, v0, vm0, $0x4038;
	[tilespmem:$0x14000] =	vst v63  }
0x16: {  	_ =	swait.ge [sflag:s5], $0x5000  }
0x17: {  	s30 =	sshrl.u32 s13, $0x3;
	[sflag:s5] =	ssyncset.done $0x0  }
0x18: {  	s31 =	sand.u32 $0x7, s13;
	s15 =	sadd.s32 s8, s30;
	[sflag:s5] =	ssyncadd.s32 $0xFFFFB000  }
0x19: {  	[hbm4b:s15+s31] =	stream.linear.scatter [tilespmem:s14], [sflag:$0x3], $0x5000, $0x38;
	[tilespmem:$0x14000] =	vst v63  }
.LBB2_5:
0x1a: {  	s15 =	sadd.s32 $0xA0000, s11  }
0x1b: {  	p1 =	sgt.s32 s15, $0xC7FFF  }
0x1c: {  	s15 =	smov.u32 @p1 s4;
	p1 =	sne.s32 s12, s9  }
.Ltmp1:
0x1d: {  	p0 =	slt.u32 s12, $0x2;
	(pc) =	sbr.rel @!p1 .LBB2_6-.Ltmp1, $4  }
0x1e: {  	s14 =	simm.s32 @!p0 $0x3  }
0x1f: {  	_ =	swait.ge @!p0 [sflag:s14], $0x5000  }
0x20: {  	s16 =	sadd.s32 $0x1, s12;
	s13 =	smov.u32 s11;
	[sflag:s14] =	ssyncset.done @!p0 $0x0  }
0x21: {  	s12 =	smov.u32 s16;
	s11 =	smov.u32 s15;
	[sflag:s14] =	ssyncadd.s32 @!p0 $0xFFFFB000  }
.LBB2_1:
0x22: {  	p0 =	sge.u32 s12, s7  }
0x23: {  	s14 =	sxor.u32 @!p0 $0x1, s12  }
0x24: {  	s14 =	smul.u32 @!p0 $0x14000, s14  }
0x25: {  	s31 =	sadd.s32 $0xFFFFFFFF, s12;
	s15 =	sshrl.u32 @!p0 s11, $0x3  }
0x26: {  	s16 =	sand.u32 @!p0 $0x7, s11;
	s15 =	sadd.s32 @!p0 s3, s15;
	s14 =	sshra.s32 @!p0 s14, $0x2  }
0x27: {  	[tilespmem:s14], [sflag:$0x2] =	stream.linear.gather @!p0 [hbm4b:s15+s16], $0x5000, $0x38;
	[tilespmem:$0x14000] =	vst v63  }
0x28: {  	p0 =	sge.u32 s31, s7  }
.Ltmp2:
0x29: {  	_ = 	snop;
	(pc) =	sbr.rel @p0 .LBB2_5-.Ltmp2, $1  }
0x2a: {  	_ =	sdelay $0x3  }
0x2b: {  	s14 =	sand.u32 $0x1, s12  }
0x2c: {  	_ =	swait.ge [sflag:s6], $0x5000;
	p0 =	seq.s32 s14, $0x1;
	s14 =	simm.s32 $0x5000  }
0x2d: {  	[sflag:s6] =	ssyncset.done $0x0;
	s14 =	simm.s32 @!p0 $0x0  }
0x2e: {  	[sflag:s6] =	ssyncadd.s32 $0xFFFFB000;
	(ifvalue) =	ssetifvalue $0x7FFFFFFF;
	v0 =	vld.msk [tilespmem:s14+$0x0 ss:$0x1], $0xffff;
	_ =	sdelay $0x4  }
0x2f: {  	s15 =	sadd.s32 $0x10, s14;
	vm1 =	vgt.s32 v0, $0x0  }
0x30: {  	v2 =	vld.msk [tilespmem:s15+$0x0 ss:$0x1], $0xffff;
	v1 =	vnsel vm1, $0x0, v0  }
0x31: {  	v1 =	vmin.u32 v1, $0xC7FFF;
	_ =	sdelay $0x2  }
0x32: {  	s17 =	simm.s32 $0x20;
	s14 =	sor.u32 $0xA000, s14;
	s16 =	sadd.s32 $0x10, s15  }
0x33: {  	s15 =	sadd.s32 $0x10, s14;
	s18 =	smov.u32 s14;
	v0 =	vld.msk [tilespmem:s16+$0x0 ss:$0x1], $0xffff;
	vm1 =	vgt.s32 v2, $0x0;
	(ifvalue) =	ssetifvalue $0x7FFFFFFF  }
.LBB2_3:
0x34: {  	[tilespmem:s18], [sflag:$0x1] =	stream.indirect_vreg.gather [hbm4b:s2+s10], $0x1, v1, vm0, $0x4038;
	[tilespmem:$0x14000] =	vst v63  }
0x35: {  	s17 =	sadd.s32 $0x10, s17  }
0x36: {  	v2 =	vnsel vm1, $0x0, v2;
	p0 =	slt.u32 s17, $0x4FF0  }
.Ltmp3:
0x37: {  	s18 =	smov.u32 s15;
	v1 =	vmin.u32 v2, $0xC7FFF;
	(pc) =	sbr.rel @p0 .LBB2_3-.Ltmp3, $3  }
0x38: {  	_ =	sdelay $0x1  }
0x39: {  	s16 =	sadd.s32 $0x10, s16  }
0x3a: {  	vm1 =	vgt.s32 v0, $0x0;
	s15 =	sadd.s32 $0x10, s15;
	v2 =	vmov v0;
	(ifvalue) =	ssetifvalue $0x7FFFFFFF;
	v0 =	vld.msk [tilespmem:s16+$0x0 ss:$0x1], $0xffff  }
.Ltmp4:
0x3b: {  	_ = 	snop;
	(pc) =	sbr.rel .LBB2_4-.Ltmp4, $1  }
0x3c: {  	_ =	sdelay $0x3  }
.LBB2_6:
0x3d: {  	_ =	sfence.sel $0x180000  }
0x3e: {  	s2 =	simm.s32 $0x2;
	[bflag:$0x0] =	sbarrier.arrive $0xFFFF  }
0x3f: {  	s30 =	simm.s32 $0x3;
	[sflag:s2] =	ssyncpa.u1 $0x1  }
0x40: {  	s31 =	simm.s32 $0x1;
	[sflag:s30] =	ssyncpa.u1 $0x1  }
0x41: {  	[sflag:s31] =	ssyncpa.u1 $0x1  }
0x42: {  	p0 =	sne.s32 s0, $0x0;
	_ =	strace $0x90000047  }
0x43: {  	s0 =	sadd.s32 @!p0 $0x100000, s1;
	[bflag:$0x2] =	sbarrier.arrive $0xFFFF  }
0x44: {  	[sflag:s0] =	ssyncadd.tile.s32 @!p0 $0x1;
	_ =	shalt  }
.Lfunc_end2:
_tile_overlayer_lowered:
.L_overlay_start_2:
0x45: {  	(tag) =	ssettag $0x2  }
0x46: {  	s0 =	rddreg [dreg:$0x0];
	s2 =	stileid.u32  }
0x47: {  	s1 =	rddreg [dreg:$0x1];
	p0 =	sne.s32 s2, $0x0  }
0x48: {  	s3 =	rddreg [dreg:$0x2];
	[bflag:$0x3] =	sbarrier.arrive $0xFFFF;
	s2 =	simm.s32 @!p0 $0x1C01  }
0x49: {  	[timem:s3], [sflag:s2] =	dma.local @!p0 [hbm:s0], s1  }
0x4a: {  	s0 =	simm.s32 @!p0 $0x1  }
0x4b: {  	_ =	swait.ge @!p0 [sflag:s0], s1  }
0x4c: {  	s1 =	ssub.s32 @!p0 $0x0, s1;
	[sflag:s0] =	ssyncset.done @!p0 $0x0  }
0x4d: {  	[sflag:s0] =	ssyncadd.s32 @!p0 s1  }
0x4e: {  	[bflag:$0x3] =	sbarrier.arrive $0xFFFF  }
0x4f: {  	_ =	shalt  }

// kernel: kernel.4.cloned.1.call-start
scs
__scs_entry_jumppad:
0x0: {  	(pc) =	sbr.rel $0x88, $3  }
0x1: {  	(tag) =	ssettag $0x0;
	lr =	simm.s32 $0x1  }
0x2: {  	[smem:$0x3F9F] =	sst lr;
	_ =	strace $0xD0000000  }
0x3: {  	_ = 	snop  }
0x4: {  	_ = 	snop  }
0x5: {  	_ = 	snop  }
0x6: {  	_ = 	snop  }
0x7: {  	_ = 	snop  }
__scs_overlays_trampoline_lowered:
0x8: {  	[smem:$0x3FAE] =	sst s0  }
0x9: {  	[smem:$0x3FAF] =	sst s1  }
0xa: {  	[smem:$0x3FB0] =	sst s2  }
0xb: {  	[smem:$0x3FB1] =	sst s3  }
0xc: {  	[smem:$0x3FB2] =	sst s4  }
0xd: {  	[smem:$0x3FB3] =	sst s5  }
0xe: {  	[smem:$0x3FB4] =	sst s6  }
0xf: {  	[smem:$0x3FB5] =	sst s7  }
0x10: {  	[smem:$0x3FB6] =	sst s8  }
0x11: {  	[smem:$0x3FB7] =	sst s9;
	s0 =	simm.s32 @!p0 $0x0  }
0x12: {  	s1 =	sld [smem:$0x3F9D];
	s0 =	simm.s32 @p0 $0x1  }
0x13: {  	[smem:$0x3FB8] =	sst s0;
	s0 =	simm.s32 @!p1 $0x0  }
0x14: {  	s2 =	sld [smem:$0x3F9C];
	s0 =	simm.s32 @p1 $0x1  }
0x15: {  	[smem:$0x3FB9] =	sst s0;
	s0 =	simm.s32 @!p2 $0x0  }
0x16: {  	s3 =	sld [smem:$0x3FDB];
	s0 =	simm.s32 @p2 $0x1  }
0x17: {  	s4 =	simm.s32 $0x1BF5;
	[smem:$0x3FBB] =	sst s0  }
0x18: {  	s0 =	sld [smem:$0x3F9E];
	_ =	swait.ge [sflag:s4], $0x0  }
0x19: {  	s7 =	sld [smem:$0x3F9F]  }
0x1a: {  	s8 =	sadd.s32 $0xFFFFE003, lr  }
0x1b: {  	s9 =	sadd.s32 $0xFFFFFEF7, lr;
	s5 =	simm.s32 $0xFFFFFFFF;
	p2 =	slt.u32 s8, $0xFFFFF086  }
0x1c: {  	p1 =	slt.u32 s9, $0xF7A;
	s5 =	simm.s32 @!p2 $0x0  }
0x1d: {  	s5 =	simm.s32 @p1 $0x1;
	p0 =	seq.s32 s7, s2  }
0x1e: {  	s7 =	smul.u32 @!p0 $0xF7A, s2;
	p2 =	seq.s32 @!p0 s5, $0x0  }
0x1f: {  	s9 =	smul.u32 $0xF7A, s1;
	s8 =	simm.s32 @!p0 $0x1BF5;
	p2 =	por !p2, p0  }
0x20: {  	[sflag:s8] =	ssyncset.s32 @!p0 $0xFFFFF086;
	s6 =	sadd.s32 @!p0 s3, s7;
	s7 =	simm.s32 @!p0 $0x108  }
0x21: {  	s3 =	sadd.s32 s3, s9;
	s6 =	sadd.s32 @!p0 $0x88, s6;
	s7 =	simm.s32 @p2 $0x1082  }
0x22: {  	[simem:s7], [sflag:s8] =	dma.local @!p0 [hbm:s6], $0xF7A  }
0x23: {  	s9 =	sor.u32 $0xD0000000, s2;
	s6 =	simm.s32 $0x108;
	_ =	swait.ge @!p0 [sflag:s8], $0x0  }
0x24: {  	s3 =	sadd.s32 $0x88, s3;
	s6 =	simm.s32 @!p1 $0x1082;
	[sflag:s4] =	ssyncset.s32 $0xFFFFF086  }
0x25: {  	[simem:s6], [sflag:s4] =	dma.local [hbm:s3], $0xF7A  }
0x26: {  	[smem:$0x3F9F] =	sst s1;
	(tag) =	ssettag s2;
	_ =	strace s9  }
0x27: {  	s1 =	sld [smem:$0x3FAF]  }
0x28: {  	s2 =	sld [smem:$0x3FB0]  }
0x29: {  	s4 =	sld [smem:$0x3FB2]  }
0x2a: {  	p0 =	seq.s32 s5, $0x0;
	s5 =	sld [smem:$0x3FB3]  }
0x2b: {  	s6 =	sld [smem:$0x3FB4]  }
0x2c: {  	s7 =	sld [smem:$0x3FB5]  }
0x2d: {  	s3 =	simm.s32 $0x108;
	s8 =	sld [smem:$0x3FB6]  }
0x2e: {  	s3 =	simm.s32 @!p0 $0x1082;
	s9 =	sld [smem:$0x3FB7]  }
0x2f: {  	lr =	sadd.s32 s0, s3;
	s0 =	sld [smem:$0x3FAE]  }
0x30: {  	s3 =	sld [smem:$0x3FB1]  }
0x31: {  	[smem:$0x3FBA] =	sst s10  }
0x32: {  	s10 =	sld [smem:$0x3FB8];
	_ =	sdelay $0x3  }
0x33: {  	p0 =	seq.s32 s10, $0x1;
	s10 =	sld [smem:$0x3FBA];
	_ =	sdelay $0x3  }
0x34: {  	[smem:$0x3FBA] =	sst s10  }
0x35: {  	s10 =	sld [smem:$0x3FB9];
	_ =	sdelay $0x3  }
0x36: {  	p1 =	seq.s32 s10, $0x1;
	s10 =	sld [smem:$0x3FBA];
	_ =	sdelay $0x3  }
0x37: {  	[smem:$0x3FBA] =	sst s10  }
0x38: {  	s10 =	sld [smem:$0x3FBB]  }
0x39: {  	_ = 	snop;
	(pc) =	sbr.ind lr, $3  }
0x3a: {  	_ = 	snop  }
0x3b: {  	_ = 	snop  }
0x3c: {  	p2 =	seq.s32 s10, $0x1;
	s10 =	sld [smem:$0x3FBA]  }
0x3d: {  	_ =	shalt  }
0x3e: {  	_ =	shalt  }
0x3f: {  	_ =	shalt  }
0x40: {  	_ =	shalt  }
0x41: {  	_ =	shalt  }
0x42: {  	_ =	shalt  }
0x43: {  	_ =	shalt  }
0x44: {  	_ =	shalt  }
0x45: {  	_ =	shalt  }
0x46: {  	_ =	shalt  }
0x47: {  	_ =	shalt  }
0x48: {  	_ =	shalt  }
0x49: {  	_ =	shalt  }
0x4a: {  	_ =	shalt  }
0x4b: {  	_ =	shalt  }
0x4c: {  	_ =	shalt  }
0x4d: {  	_ =	shalt  }
0x4e: {  	_ =	shalt  }
0x4f: {  	_ =	shalt  }
0x50: {  	_ =	shalt  }
0x51: {  	_ =	shalt  }
0x52: {  	_ =	shalt  }
0x53: {  	_ =	shalt  }
0x54: {  	_ =	shalt  }
0x55: {  	_ =	shalt  }
0x56: {  	_ =	shalt  }
0x57: {  	_ =	shalt  }
0x58: {  	_ =	shalt  }
0x59: {  	_ =	shalt  }
0x5a: {  	_ =	shalt  }
0x5b: {  	_ =	shalt  }
0x5c: {  	_ =	shalt  }
0x5d: {  	_ =	shalt  }
0x5e: {  	_ =	shalt  }
0x5f: {  	_ =	shalt  }
0x60: {  	_ =	shalt  }
0x61: {  	_ =	shalt  }
0x62: {  	_ =	shalt  }
0x63: {  	_ =	shalt  }
0x64: {  	_ =	shalt  }
0x65: {  	_ =	shalt  }
0x66: {  	_ =	shalt  }
0x67: {  	_ =	shalt  }
0x68: {  	_ =	shalt  }
0x69: {  	_ =	shalt  }
0x6a: {  	_ =	shalt  }
0x6b: {  	_ =	shalt  }
0x6c: {  	_ =	shalt  }
0x6d: {  	_ =	shalt  }
0x6e: {  	_ =	shalt  }
0x6f: {  	_ =	shalt  }
0x70: {  	_ =	shalt  }
0x71: {  	_ =	shalt  }
0x72: {  	_ =	shalt  }
0x73: {  	_ =	shalt  }
0x74: {  	_ =	shalt  }
0x75: {  	_ =	shalt  }
0x76: {  	_ =	shalt  }
0x77: {  	_ =	shalt  }
0x78: {  	_ =	shalt  }
0x79: {  	_ =	shalt  }
0x7a: {  	_ =	shalt  }
0x7b: {  	_ =	shalt  }
0x7c: {  	_ =	shalt  }
0x7d: {  	_ =	shalt  }
0x7e: {  	_ =	shalt  }
0x7f: {  	_ =	shalt  }
0x80: {  	_ =	shalt  }
0x81: {  	_ =	shalt  }
0x82: {  	_ =	shalt  }
0x83: {  	_ =	shalt  }
0x84: {  	_ =	shalt  }
0x85: {  	_ =	shalt  }
0x86: {  	_ =	shalt  }
0x87: {  	_ =	shalt  }
.Lfunc_end0:
.L_simem_size_0:
called_computation.2_lowered:
.L_overlay_start_0:
0x88: {  	s2 =	sld [smem:$0x3FD9]  }
0x89: {  	s3 =	sld [smem:$0x3FFE];
	_ =	sdelay $0x1  }
0x8a: {  	s1 =	srdreg.scid  }
0x8b: {  	s0 =	sand.u32 $0x1, s1  }
0x8c: {  	s17 =	sshll.u32 s0, $0xA;
	s2 =	sadd.s32 s3, s2  }
0x8d: {  	s2 =	sadd.s32 s2, s17  }
0x8e: {  	[smem:$0x3FC6] =	sst s2  }
0x8f: {  	_ = 	snop  }
0x90: {  	s2 =	sld [smem:$0x3FD0];
	(tm) =	ssettm $0x1  }
0x91: {  	s18 =	sld [smem:$0x3FFB];
	_ =	sdelay $0x3  }
0x92: {  	_ =	strace s18  }
0x93: {  	s3 =	sld [smem:$0x3FFC];
	_ =	sdelay $0x3  }
0x94: {  	_ =	strace s3  }
0x95: {  	s3 =	sld [smem:$0x3FFD];
	_ =	sdelay $0x3  }
0x96: {  	_ =	strace s3  }
0x97: {  	_ =	strace $0x8FFFFFFF  }
0x98: {  	s19 =	sld [smem:$0x3FDB];
	_ =	sdelay $0x1  }
0x99: {  	s4 =	simm.s32 $_scs_section_size  }
0x9a: {  	s5 =	simm.s32 $_size__tile_overlayer_lowered;
	s6 =	simm.s32 $_tile_overlayer_lowered  }
0x9b: {  	s22 =	simm.s32 $0x1BFF;
	s21 =	sshll.u32 s6, $0x1;
	s3 =	sadd.s32 s4, s19  }
0x9c: {  	s7 =	simm.s32 $0x0;
	s20 =	sshll.u32 s5, $0x1;
	s5 =	sadd.s32 s21, s3  }
0x9d: {  	[timem:s7], [sflag:s22] =	dma.local [hbm:s5], s20  }
0x9e: {  	_ =	swait.ge [sflag:s22], s20  }
0x9f: {  	s4 =	ssub.s32 $0x0, s20;
	[sflag:s22] =	ssyncset.done $0x0  }
0xa0: {  	[sflag:s22] =	ssyncadd.s32 s4;
	_ =	sdelay $0x1  }
0xa1: {  	s23 =	simm.s32 $0x1B8B  }
0xa2: {  	_ =	swait.ge [sflag:s23], $0x1  }
0xa3: {  	[sflag:s23] =	ssyncset.done $0x0  }
0xa4: {  	s25 =	simm.s32 $0x1B8E;
	s24 =	sld [smem:$0x3FFE];
	[sflag:s23] =	ssyncadd.s32 $0xFFFFFFFF  }
0xa5: {  	s26 =	simm.s32 $execute0_lowered;
	[smem:$0x3FD2] =	sst s25  }
0xa6: {  	s5 =	sshll.u32 s26, $0x1;
	_ =	strace $0x80000049;
	[dreg:$0x1] =	wrdreg $0xFFFFFFFF  }
0xa7: {  	s28 =	simm.s32 $_size_execute0_lowered;
	s3 =	sadd.s32 s3, s5;
	[dreg:$0x0] =	wrdreg $0x0  }
0xa8: {  	s5 =	sshll.u32 s28, $0x1;
	[dreg:$0x2] =	wrdreg s3  }
0xa9: {  	[dreg:$0x3] =	wrdreg s5  }
0xaa: {  	[dreg:$0x4] =	wrdreg $0xC0  }
0xab: {  	_ =	task [dreg:s7], $0x5FFFF  }
0xac: {  	[dreg:$0x1] =	wrdreg $0xFFFFFFFF  }
0xad: {  	[dreg:$0x0] =	wrdreg $0x60  }
0xae: {  	[dreg:$0x2] =	wrdreg s24  }
0xaf: {  	[dreg:$0x3] =	wrdreg s2  }
0xb0: {  	[dreg:$0x4] =	wrdreg $0x9  }
0xb1: {  	_ =	task.clear_ibuf [dreg:s7], $0x5FFFF;
	_ =	strace $0x90000049  }
0xb2: {  	s29 =	simm.s32 $0x9;
	_ =	strace $0x8000004B  }
0xb3: {  	_ =	swait.ge [sflag:s29], $0x1  }
0xb4: {  	[sflag:s29] =	ssyncadd.s32 $0xFFFFFFFF  }
0xb5: {  	_ =	strace $0x9000004B  }
0xb6: {  	_ =	sfence  }
0xb7: {  	s30 =	sld [smem:$0x0];
	_ =	sdelay $0x2  }
0xb8: {  	s31 =	sshll.u32 s1, $0xD;
	s1 =	sshrl.u32 s1, $0x2  }
0xb9: {  	s3 =	sand.u32 $0x4000, s31;
	s1 =	sadd.s32 s1, s30  }
0xba: {  	s0 =	sor.u32 s3, s0;
	s1 =	sshll.u32 s1, $0x11  }
0xbb: {  	s0 =	sor.u32 s1, s0  }
0xbc: {  	s0 =	sadd.s32 $0x8F2B, s0  }
0xbd: {  	[sflag:s0] =	ssyncadd.remote.s32 $0x1  }
0xbe: {  	_ =	sfence.sel $0xFFFF  }
0xbf: {  	[dreg:$0x0] =	wrdreg $0xFFFFFFFF;
	(pc) =	sbr.abs _section_cstart, $3  }
0xc0: {  	[dreg:$0x1] =	wrdreg $0xFFFFFFFF  }
0xc1: {  	_ =	task.clear_ibuf [dreg:s7], $0x2FFFF;
	_ =	strace $0x9FFFFFFF  }
0xc2: {  	(tm) =	ssettm $0x7FFFFFFF  }
0xc3: {  	_ =	shalt  }
tec
execute0_lowered:
.L_overlay_start_1:
0x0: {  	(tag) =	ssettag $0x1  }
0x1: {  	s0 =	rddreg [dreg:$0x0]  }
0x2: {  	s1 =	rddreg [dreg:$0x1]  }
0x3: {  	s3 =	srdreg.scid;
	s12 =	stileid.u32  }
0x4: {  	s2 =	simm.s32 $0x0;
	s13 =	simm.s32 $0x8400;
	s15 =	simm.s32 $0xA400  }
0x5: {  	s17 =	simm.s32 $0xC400;
	s19 =	simm.s32 $0xE400;
	s21 =	simm.s32 $0x10400  }
0x6: {  	s28 =	simm.s32 $0x16400;
	s29 =	simm.s32 $0x480;
	s30 =	simm.s32 $0x18400  }
0x7: {  	s31 =	simm.s32 $0x1;
	s14 =	simm.s32 $0x4;
	s16 =	simm.s32 $0x0  }
0x8: {  	s7 =	sand.u32 $0x1, s3;
	s22 =	sshll.u32 s12, $0x1;
	s9 =	smul.u32 $0xC800, s12  }
0x9: {  	[smem:$0x7FF] =	sst s2;
	s3 =	sadd.s32 $0x32C00, s0;
	s24 =	smul.u32 $0x64000, s12  }
0xa: {  	s0 =	sadd.s32 $0x7F2C00, s0;
	s4 =	sor.u32 s7, s22;
	s11 =	smul.u32 $0x6400, s7  }
0xb: {  	s12 =	simm.s32 $0x6400;
	s6 =	ssub.s32 $0x2, s7;
	s5 =	smul.u32 $0x6400, s4  }
0xc: {  	_ =	strace $0x8000004A;
	s4 =	smul.u32 $0x190000, s4;
	s8 =	sshrl.u32 s6, $0x1  }
0xd: {  	s26 =	smul.u32 $0x32000, s7;
	s8 =	ssub.s32 s6, s8;
	s9 =	sadd.s32 s11, s9  }
0xe: {  	s11 =	simm.s32 $0x80;
	s5 =	sshrl.u32 s5, $0x3;
	s10 =	sshrl.u32 s4, $0x3  }
0xf: {  	s25 =	sshll.u32 s9, $0x3;
	s7 =	smax.u32 s8, $0x1;
	s4 =	sadd.s32 s1, s5  }
0x10: {  	s23 =	sadd.s32 s0, s10;
	s1 =	sadd.s32 s25, s0;
	s0 =	sadd.s32 s24, s0  }
0x11: {  	s10 =	simm.s32 $0x5;
	s25 =	simm.s32 $0x14400;
	s5 =	sadd.s32 $0x2F800, s23  }
0x12: {  	s6 =	sadd.s32 $0x30C00, s23;
	s8 =	sadd.s32 $0x1400, s1;
	s9 =	sadd.s32 s26, s0  }
0x13: {  	s23 =	simm.s32 $0x12400;
	s0 =	simm.s32 $0x3;
	s1 =	simm.s32 $0x2  }
.LBB2_1:
0x14: {  	[tilespmem:s2], [sflag:$0x5] =	stream.linear.gather [hbm4b:s4+s2], $0x6400, $0x38;
	[tilespmem:$0x1A400] =	vst v63  }
0x15: {  	_ =	swait.ge [sflag:s10], $0x6400  }
0x16: {  	[sflag:s10] =	ssyncset.done $0x0  }
0x17: {  	[sflag:s10] =	ssyncadd.s32 $0xFFFF9C00  }
0x18: {  	[tilespmem:s12], [sflag:$0x1] =	stream.indirect.gather [hbm4b:s3+s11], $0x40, s2, s11, $0xb8;
	[tilespmem:$0x1A400] =	vst v63  }
0x19: {  	_ = 	snop  }
0x1a: {  	[tilespmem:s13], [sflag:$0x1] =	stream.indirect.gather [hbm4b:s3+s11], $0x40, s11, s11, $0xb8;
	[tilespmem:$0x1A400] =	vst v63  }
0x1b: {  	s18 =	simm.s32 $0x100  }
0x1c: {  	[tilespmem:s15], [sflag:$0x1] =	stream.indirect.gather [hbm4b:s3+s11], $0x40, s18, s11, $0xb8;
	[tilespmem:$0x1A400] =	vst v63  }
0x1d: {  	s22 =	simm.s32 $0x180  }
0x1e: {  	[tilespmem:s17], [sflag:$0x1] =	stream.indirect.gather [hbm4b:s3+s11], $0x40, s22, s11, $0xb8;
	[tilespmem:$0x1A400] =	vst v63  }
0x1f: {  	s24 =	simm.s32 $0x200  }
0x20: {  	[tilespmem:s19], [sflag:$0x1] =	stream.indirect.gather [hbm4b:s3+s11], $0x40, s24, s11, $0xb8;
	[tilespmem:$0x1A400] =	vst v63  }
0x21: {  	s26 =	simm.s32 $0x280  }
0x22: {  	[tilespmem:s21], [sflag:$0x2] =	stream.indirect.gather [hbm4b:s3+s11], $0x40, s26, s11, $0xb8;
	[tilespmem:$0x1A400] =	vst v63  }
0x23: {  	s20 =	simm.s32 $0x300  }
0x24: {  	[tilespmem:s23], [sflag:$0x2] =	stream.indirect.gather [hbm4b:s3+s11], $0x40, s20, s11, $0xb8;
	[tilespmem:$0x1A400] =	vst v63  }
0x25: {  	s22 =	simm.s32 $0x380  }
0x26: {  	[tilespmem:s25], [sflag:$0x2] =	stream.indirect.gather [hbm4b:s3+s11], $0x40, s22, s11, $0xb8;
	[tilespmem:$0x1A400] =	vst v63  }
0x27: {  	s24 =	simm.s32 $0x400  }
0x28: {  	[tilespmem:s28], [sflag:$0x2] =	stream.indirect.gather [hbm4b:s3+s11], $0x40, s24, s11, $0xb8;
	[tilespmem:$0x1A400] =	vst v63  }
0x29: {  	_ = 	snop  }
0x2a: {  	[tilespmem:s30], [sflag:$0x2] =	stream.indirect.gather [hbm4b:s3+s11], $0x40, s29, s11, $0xb8;
	[tilespmem:$0x1A400] =	vst v63  }
0x2b: {  	_ =	swait.ge [sflag:s31], $0xA000  }
0x2c: {  	[sflag:s31] =	ssyncset.done $0x0  }
0x2d: {  	[sflag:s31] =	ssyncadd.s32 $0xFFFF6000  }
0x2e: {  	[hbm4b:s9+s2] =	stream.linear.scatter [tilespmem:s12], [sflag:$0x3], $0xA000, $0x38;
	[tilespmem:$0x1A400] =	vst v63  }
0x2f: {  	_ =	swait.ge [sflag:s0], $0xA000  }
0x30: {  	[sflag:s0] =	ssyncset.done $0x0  }
0x31: {  	s26 =	simm.s32 $0x500;
	[sflag:s0] =	ssyncadd.s32 $0xFFFF6000  }
0x32: {  	[tilespmem:s12], [sflag:$0x1] =	stream.indirect.gather [hbm4b:s3+s11], $0x40, s26, s11, $0xb8;
	[tilespmem:$0x1A400] =	vst v63  }
0x33: {  	s20 =	simm.s32 $0x580  }
0x34: {  	[tilespmem:s13], [sflag:$0x1] =	stream.indirect.gather [hbm4b:s3+s11], $0x40, s20, s11, $0xb8;
	[tilespmem:$0x1A400] =	vst v63  }
0x35: {  	s22 =	simm.s32 $0x600  }
0x36: {  	[tilespmem:s15], [sflag:$0x1] =	stream.indirect.gather [hbm4b:s3+s11], $0x40, s22, s11, $0xb8;
	[tilespmem:$0x1A400] =	vst v63  }
0x37: {  	s24 =	simm.s32 $0x680  }
0x38: {  	[tilespmem:s17], [sflag:$0x1] =	stream.indirect.gather [hbm4b:s3+s11], $0x40, s24, s11, $0xb8;
	[tilespmem:$0x1A400] =	vst v63  }
0x39: {  	s26 =	simm.s32 $0x700  }
0x3a: {  	[tilespmem:s19], [sflag:$0x1] =	stream.indirect.gather [hbm4b:s3+s11], $0x40, s26, s11, $0xb8;
	[tilespmem:$0x1A400] =	vst v63  }
0x3b: {  	_ =	swait.ge [sflag:s1], $0xA000  }
0x3c: {  	[sflag:s1] =	ssyncset.done $0x0  }
0x3d: {  	[sflag:s1] =	ssyncadd.s32 $0xFFFF6000  }
0x3e: {  	[hbm4b:s8+s2] =	stream.linear.scatter [tilespmem:s21], [sflag:$0x4], $0xA000, $0x38;
	[tilespmem:$0x1A400] =	vst v63  }
0x3f: {  	_ =	swait.ge [sflag:s14], $0xA000  }
0x40: {  	[sflag:s14] =	ssyncset.done $0x0  }
0x41: {  	s20 =	simm.s32 $0x780;
	[sflag:s14] =	ssyncadd.s32 $0xFFFF6000  }
0x42: {  	[tilespmem:s21], [sflag:$0x2] =	stream.indirect.gather [hbm4b:s3+s11], $0x40, s20, s11, $0xb8;
	[tilespmem:$0x1A400] =	vst v63  }
0x43: {  	s22 =	simm.s32 $0x800  }
0x44: {  	[tilespmem:s23], [sflag:$0x2] =	stream.indirect.gather [hbm4b:s3+s11], $0x40, s22, s11, $0xb8;
	[tilespmem:$0x1A400] =	vst v63  }
0x45: {  	s18 =	simm.s32 $0x1400;
	s24 =	simm.s32 $0x880;
	s26 =	simm.s32 $0x900  }
0x46: {  	[tilespmem:s25], [sflag:$0x2] =	stream.indirect.gather [hbm4b:s3+s11], $0x40, s24, s11, $0xb8;
	[tilespmem:$0x1A400] =	vst v63  }
0x47: {  	s20 =	sadd.s32 $0x2800, s8;
	s22 =	sadd.s32 $0x2800, s9;
	s24 =	simm.s32 $0x980  }
0x48: {  	[tilespmem:s28], [sflag:$0x2] =	stream.indirect.gather [hbm4b:s3+s11], $0x40, s26, s11, $0xb8;
	[tilespmem:$0x1A400] =	vst v63  }
.LBB2_2:
0x49: {  	[tilespmem:s30], [sflag:$0x2] =	stream.indirect.gather [hbm4b:s3+s11], $0x40, s24, s11, $0xb8;
	[tilespmem:$0x1A400] =	vst v63  }
0x4a: {  	s24 =	smov.u32 s18  }
0x4b: {  	p0 =	sne.s32 s18, $0x16800;
	s18 =	sadd.s32 $0x1400, s18;
	_ =	swait.ge [sflag:s31], $0xA000  }
0x4c: {  	[sflag:s31] =	ssyncset.done $0x0  }
0x4d: {  	[sflag:s31] =	ssyncadd.s32 $0xFFFF6000  }
0x4e: {  	[hbm4b:s22+s2] =	stream.linear.scatter [tilespmem:s12], [sflag:$0x3], $0xA000, $0x38;
	[tilespmem:$0x1A400] =	vst v63  }
0x4f: {  	_ =	swait.ge [sflag:s0], $0xA000  }
0x50: {  	s24 =	sshra.s32 s24, $0x2;
	[sflag:s0] =	ssyncset.done $0x0  }
0x51: {  	s26 =	sadd.s32 $0x500, s24;
	[sflag:s0] =	ssyncadd.s32 $0xFFFF6000  }
0x52: {  	[tilespmem:s12], [sflag:$0x1] =	stream.indirect.gather [hbm4b:s3+s11], $0x40, s26, s11, $0xb8;
	[tilespmem:$0x1A400] =	vst v63  }
0x53: {  	s26 =	sadd.s32 $0x580, s24  }
0x54: {  	[tilespmem:s13], [sflag:$0x1] =	stream.indirect.gather [hbm4b:s3+s11], $0x40, s26, s11, $0xb8;
	[tilespmem:$0x1A400] =	vst v63  }
0x55: {  	s26 =	sadd.s32 $0x600, s24  }
0x56: {  	[tilespmem:s15], [sflag:$0x1] =	stream.indirect.gather [hbm4b:s3+s11], $0x40, s26, s11, $0xb8;
	[tilespmem:$0x1A400] =	vst v63  }
0x57: {  	s26 =	sadd.s32 $0x680, s24  }
0x58: {  	[tilespmem:s17], [sflag:$0x1] =	stream.indirect.gather [hbm4b:s3+s11], $0x40, s26, s11, $0xb8;
	[tilespmem:$0x1A400] =	vst v63  }
0x59: {  	s26 =	sadd.s32 $0x700, s24  }
0x5a: {  	[tilespmem:s19], [sflag:$0x1] =	stream.indirect.gather [hbm4b:s3+s11], $0x40, s26, s11, $0xb8;
	[tilespmem:$0x1A400] =	vst v63  }
0x5b: {  	_ =	swait.ge [sflag:s1], $0xA000  }
0x5c: {  	[sflag:s1] =	ssyncset.done $0x0  }
0x5d: {  	[sflag:s1] =	ssyncadd.s32 $0xFFFF6000  }
0x5e: {  	[hbm4b:s20+s2] =	stream.linear.scatter [tilespmem:s21], [sflag:$0x4], $0xA000, $0x38;
	[tilespmem:$0x1A400] =	vst v63  }
0x5f: {  	_ =	swait.ge [sflag:s14], $0xA000  }
0x60: {  	[sflag:s14] =	ssyncset.done $0x0  }
0x61: {  	s26 =	sadd.s32 $0x780, s24;
	[sflag:s14] =	ssyncadd.s32 $0xFFFF6000  }
0x62: {  	[tilespmem:s21], [sflag:$0x2] =	stream.indirect.gather [hbm4b:s3+s11], $0x40, s26, s11, $0xb8;
	[tilespmem:$0x1A400] =	vst v63  }
0x63: {  	s26 =	sadd.s32 $0x800, s24  }
0x64: {  	[tilespmem:s23], [sflag:$0x2] =	stream.indirect.gather [hbm4b:s3+s11], $0x40, s26, s11, $0xb8;
	[tilespmem:$0x1A400] =	vst v63  }
.Ltmp0:
0x65: {  	s26 =	sadd.s32 $0x880, s24;
	(pc) =	sbr.rel @p0 .LBB2_2-.Ltmp0, $4  }
0x66: {  	[tilespmem:s25], [sflag:$0x2] =	stream.indirect.gather [hbm4b:s3+s11], $0x40, s26, s11, $0xb8;
	[tilespmem:$0x1A400] =	vst v63  }
0x67: {  	s26 =	sadd.s32 $0x900, s24  }
0x68: {  	[tilespmem:s28], [sflag:$0x2] =	stream.indirect.gather [hbm4b:s3+s11], $0x40, s26, s11, $0xb8;
	[tilespmem:$0x1A400] =	vst v63  }
0x69: {  	s22 =	sadd.s32 $0x2800, s22;
	s20 =	sadd.s32 $0x2800, s20;
	s24 =	sadd.s32 $0x980, s24  }
0x6a: {  	[tilespmem:s30], [sflag:$0x2] =	stream.indirect.gather [hbm4b:s3+s11], $0x40, s24, s11, $0xb8;
	[tilespmem:$0x1A400] =	vst v63  }
0x6b: {  	_ =	swait.ge [sflag:s31], $0xA000  }
0x6c: {  	[sflag:s31] =	ssyncset.done $0x0  }
0x6d: {  	[sflag:s31] =	ssyncadd.s32 $0xFFFF6000  }
0x6e: {  	[hbm4b:s5+s2] =	stream.linear.scatter [tilespmem:s12], [sflag:$0x3], $0xA000, $0x38;
	[tilespmem:$0x1A400] =	vst v63  }
0x6f: {  	_ =	swait.ge [sflag:s1], $0xA000  }
0x70: {  	[sflag:s1] =	ssyncset.done $0x0  }
0x71: {  	s16 =	sadd.s32 $0x1, s16;
	[sflag:s1] =	ssyncadd.s32 $0xFFFF6000  }
0x72: {  	[hbm4b:s6+s2] =	stream.linear.scatter [tilespmem:s21], [sflag:$0x4], $0xA000, $0x38;
	[tilespmem:$0x1A400] =	vst v63  }
0x73: {  	p0 =	sne.s32 s16, s7;
	_ =	swait.ge [sflag:s0], $0xA000  }
.Ltmp1:
0x74: {  	[sflag:s0] =	ssyncset.done $0x0;
	(pc) =	sbr.rel @p0 .LBB2_1-.Ltmp1, $4  }
0x75: {  	[sflag:s0] =	ssyncadd.s32 $0xFFFF6000  }
0x76: {  	_ =	swait.ge [sflag:s14], $0xA000  }
0x77: {  	[sflag:s14] =	ssyncset.done $0x0  }
0x78: {  	[sflag:s14] =	ssyncadd.s32 $0xFFFF6000  }
0x79: {  	_ =	sfence.sel $0x180000  }
0x7a: {  	[bflag:$0x0] =	sbarrier.arrive $0xFFFF  }
0x7b: {  	_ =	strace $0x9000004A  }
0x7c: {  	s0 =	stileid.u32;
	[bflag:$0x2] =	sbarrier.arrive $0xFFFF  }
0x7d: {  	p0 =	sne.s32 s0, $0x0;
	s0 =	rddreg [dreg:$0x2]  }
0x7e: {  	s0 =	sadd.s32 @!p0 $0x100000, s0  }
0x7f: {  	[sflag:s0] =	ssyncadd.tile.s32 @!p0 $0x1;
	_ =	shalt  }
.Lfunc_end2:
_tile_overlayer_lowered:
.L_overlay_start_2:
0x80: {  	(tag) =	ssettag $0x2  }
0x81: {  	s0 =	rddreg [dreg:$0x0];
	s2 =	stileid.u32  }
0x82: {  	s1 =	rddreg [dreg:$0x1];
	p0 =	sne.s32 s2, $0x0  }
0x83: {  	s3 =	rddreg [dreg:$0x2];
	[bflag:$0x3] =	sbarrier.arrive $0xFFFF;
	s2 =	simm.s32 @!p0 $0x1C05  }
0x84: {  	[timem:s3], [sflag:s2] =	dma.local @!p0 [hbm:s0], s1  }
0x85: {  	s0 =	simm.s32 @!p0 $0x5  }
0x86: {  	_ =	swait.ge @!p0 [sflag:s0], s1  }
0x87: {  	s1 =	ssub.s32 @!p0 $0x0, s1;
	[sflag:s0] =	ssyncset.done @!p0 $0x0  }
0x88: {  	[sflag:s0] =	ssyncadd.s32 @!p0 s1  }
0x89: {  	[bflag:$0x3] =	sbarrier.arrive $0xFFFF  }
0x8a: {  	_ =	shalt  }

// kernel: sparse-core-data-format-call.cloned.1.call-start
scs
called_computation_lowered:
.L_overlay_start_0:
0x0: {  	s2 =	sld [smem:$0x3FD9]  }
0x1: {  	s3 =	sld [smem:$0x3FFE];
	_ =	sdelay $0x1  }
0x2: {  	s1 =	srdreg.scid  }
0x3: {  	s0 =	sand.u32 $0x1, s1  }
0x4: {  	s18 =	sshll.u32 s0, $0xA;
	s2 =	sadd.s32 s3, s2  }
0x5: {  	s2 =	sadd.s32 s2, s18  }
0x6: {  	[smem:$0x3FC6] =	sst s2  }
0x7: {  	_ = 	snop  }
0x8: {  	s2 =	sld [smem:$0x3FD0];
	(tm) =	ssettm $0x1  }
0x9: {  	s19 =	sld [smem:$0x3FFB];
	_ =	sdelay $0x3  }
0xa: {  	_ =	strace s19  }
0xb: {  	s3 =	sld [smem:$0x3FFC];
	_ =	sdelay $0x3  }
0xc: {  	_ =	strace s3  }
0xd: {  	s3 =	sld [smem:$0x3FFD];
	_ =	sdelay $0x3  }
0xe: {  	_ =	strace s3  }
0xf: {  	_ =	strace $0x8FFFFFFF  }
0x10: {  	s20 =	sld [smem:$0x3FDB];
	_ =	sdelay $0x1  }
0x11: {  	s4 =	simm.s32 $_scs_section_size  }
0x12: {  	s5 =	simm.s32 $_size__tile_overlayer_lowered;
	s6 =	simm.s32 $_tile_overlayer_lowered  }
0x13: {  	s23 =	simm.s32 $0x1BFF;
	s22 =	sshll.u32 s6, $0x1;
	s3 =	sadd.s32 s4, s20  }
0x14: {  	s7 =	simm.s32 $0x0;
	s21 =	sshll.u32 s5, $0x1;
	s5 =	sadd.s32 s22, s3  }
0x15: {  	[timem:s7], [sflag:s23] =	dma.local [hbm:s5], s21  }
0x16: {  	_ =	swait.ge [sflag:s23], s21  }
0x17: {  	s4 =	ssub.s32 $0x0, s21;
	[sflag:s23] =	ssyncset.done $0x0  }
0x18: {  	[sflag:s23] =	ssyncadd.s32 s4;
	_ =	sdelay $0x1  }
0x19: {  	s24 =	simm.s32 $0x1B8B  }
0x1a: {  	_ =	swait.ge [sflag:s24], $0x1  }
0x1b: {  	[sflag:s24] =	ssyncset.done $0x0  }
0x1c: {  	s26 =	simm.s32 $0x1B8E;
	s25 =	sld [smem:$0x3FFE];
	[sflag:s24] =	ssyncadd.s32 $0xFFFFFFFF  }
0x1d: {  	s27 =	simm.s32 $execute0_lowered;
	[smem:$0x3FD2] =	sst s26  }
0x1e: {  	s5 =	sshll.u32 s27, $0x1;
	_ =	strace $0x8000004C;
	[dreg:$0x1] =	wrdreg $0xFFFFFFFF  }
0x1f: {  	s28 =	simm.s32 $_size_execute0_lowered;
	s3 =	sadd.s32 s3, s5;
	[dreg:$0x0] =	wrdreg $0x0  }
0x20: {  	s5 =	sshll.u32 s28, $0x1;
	[dreg:$0x2] =	wrdreg s3  }
0x21: {  	[dreg:$0x3] =	wrdreg s5  }
0x22: {  	[dreg:$0x4] =	wrdreg $0xC0  }
0x23: {  	_ =	task [dreg:s7], $0x5FFFF  }
0x24: {  	[dreg:$0x1] =	wrdreg $0xFFFFFFFF  }
0x25: {  	[dreg:$0x0] =	wrdreg $0x60  }
0x26: {  	[dreg:$0x2] =	wrdreg s25  }
0x27: {  	[dreg:$0x3] =	wrdreg s2  }
0x28: {  	[dreg:$0x4] =	wrdreg $0x9  }
0x29: {  	_ =	task.clear_ibuf [dreg:s7], $0x5FFFF;
	_ =	strace $0x9000004C  }
0x2a: {  	s29 =	simm.s32 $0x9;
	_ =	strace $0x8000004E  }
0x2b: {  	_ =	swait.ge [sflag:s29], $0x1  }
0x2c: {  	[sflag:s29] =	ssyncadd.s32 $0xFFFFFFFF  }
0x2d: {  	_ =	strace $0x9000004E  }
0x2e: {  	_ =	sfence  }
0x2f: {  	s30 =	sld [smem:$0x0];
	_ =	sdelay $0x2  }
0x30: {  	s31 =	sshll.u32 s1, $0xD;
	s1 =	sshrl.u32 s1, $0x2  }
0x31: {  	s3 =	sand.u32 $0x4000, s31;
	s1 =	sadd.s32 s1, s30  }
0x32: {  	s0 =	sor.u32 s3, s0;
	s1 =	sshll.u32 s1, $0x11  }
0x33: {  	s0 =	sor.u32 s1, s0  }
0x34: {  	s0 =	sadd.s32 $0x8F2B, s0  }
0x35: {  	[sflag:s0] =	ssyncadd.remote.s32 $0x1  }
0x36: {  	_ =	sfence.sel $0xFFFF  }
0x37: {  	[dreg:$0x0] =	wrdreg $0xFFFFFFFF;
	(pc) =	sbr.abs _section_cstart, $3  }
0x38: {  	[dreg:$0x1] =	wrdreg $0xFFFFFFFF  }
0x39: {  	_ =	task.clear_ibuf [dreg:s7], $0x2FFFF;
	_ =	strace $0x9FFFFFFF  }
0x3a: {  	(tm) =	ssettm $0x7FFFFFFF  }
0x3b: {  	_ =	shalt  }
tec
execute0_lowered:
.L_overlay_start_1:
0x0: {  	(tag) =	ssettag $0x1  }
0x1: {  	s0 =	srdreg.scid  }
0x2: {  	s1 =	sshll.u32 s0, $0x4  }
0x3: {  	s0 =	stileid.u32;
	s1 =	sand.u32 $0x10, s1  }
0x4: {  	s1 =	sor.u32 s0, s1  }
0x5: {  	s6 =	rddreg [dreg:$0x0];
	s4 =	simm.s32 $0x1;
	s2 =	sshll.u32 s1, $0x7  }
0x6: {  	s7 =	simm.s32 $0x2;
	s12 =	simm.s32 $0x0;
	s1 =	ssub.s32 $0x4000, s2  }
0x7: {  	s8 =	simm.s32 $0x20000;
	s13 =	simm.s32 $0x0;
	s3 =	sand.u32 $0xF80, s1  }
0x8: {  	s10 =	simm.s32 $0x0;
	s5 =	sshrl.u32 s1, $0xC;
	p0 =	sne.s32 s3, $0x0  }
.Ltmp0:
0x9: {  	s1 =	rddreg [dreg:$0x2];
	s4 =	simm.s32 @!p0 $0x0;
	(pc) =	sbr.rel .LBB1_1-.Ltmp0, $4  }
0xa: {  	s11 =	simm.s32 $0x0;
	s3 =	rddreg [dreg:$0x1];
	s5 =	sadd.s32 s4, s5  }
0xb: {  	_ =	strace $0x8000004D;
	s4 =	simm.s32 $0x1;
	s5 =	smul.u32 $0x19, s5  }
0xc: {  	s6 =	sadd.s32 $0x7F2C00, s6;
	s9 =	smov.u32 s2;
	[sflag:s4] =	ssyncpa.u1 $0x0  }
0xd: {  	p0 =	por $0x0, $0x0;
	[sflag:s7] =	ssyncpa.u1 $0x0;
	s7 =	sadd.s32 $0x1, s5  }
.LBB1_4:
0xe: {  	v5 =	vld [tilespmem:s17+$0xFFFFFFD0];
	[tilespmem:s16+$0x2040 ss:$0x81] =	vst.msk $0xffff, v1  }
0xf: {  	v58 =	vld [tilespmem:s17+$0xFFFFFFE0];
	[tilespmem:s16+$0x2850 ss:$0x81] =	vst.msk $0xffff, v2  }
0x10: {  	s18 =	sshra.s32 s18, $0x2;
	v59 =	vld [tilespmem:s17+$0xFFFFFFF0];
	[tilespmem:s16+$0x3060 ss:$0x81] =	vst.msk $0xffff, v3  }
0x11: {  	v60 =	vld [tilespmem:s17+$0x0];
	[tilespmem:s16+$0x0 ss:$0x81] =	vst.msk $0xffff, v0;
	s15 =	sadd.s32 s18, s15  }
0x12: {  	v61 =	vld [tilespmem:s17+$0x10];
	[tilespmem:s15+$0x3870 ss:$0x81] =	vst.msk $0xffff, v4  }
0x13: {  	v62 =	vld [tilespmem:s17+$0x20];
	[tilespmem:s15+$0x810 ss:$0x81] =	vst.msk $0xffff, v5  }
0x14: {  	v63 =	vld [tilespmem:s17+$0xFFFFFFC0];
	[tilespmem:s15+$0x1020 ss:$0x81] =	vst.msk $0xffff, v58  }
0x15: {  	s28 =	sshll.u32 s12, $0x3;
	s29 =	sand.u32 $0x78, s12;
	[tilespmem:s15+$0x1830 ss:$0x81] =	vst.msk $0xffff, v59  }
0x16: {  	s13 =	sshll.u32 s13, $0x12;
	s30 =	sand.u32 $0x3F800, s12;
	s16 =	sand.u32 $0x3C00, s28;
	[tilespmem:s15+$0x2040 ss:$0x81] =	vst.msk $0xffff, v60  }
0x17: {  	s31 =	sand.u32 $0x7, s12;
	s13 =	sadd.s32 s3, s13;
	s16 =	sor.u32 s29, s16;
	[tilespmem:s15+$0x2850 ss:$0x81] =	vst.msk $0xffff, v61  }
0x18: {  	s12 =	sshll.u32 s31, $0x12;
	s13 =	sadd.s32 s30, s13;
	s16 =	sshrl.u32 s16, $0x3;
	[tilespmem:s15+$0x3060 ss:$0x81] =	vst.msk $0xffff, v62  }
0x19: {  	s12 =	sor.u32 $0x400, s12;
	s13 =	sadd.s32 s16, s13;
	[tilespmem:s15+$0x0 ss:$0x81] =	vst.msk $0xffff, v63  }
0x1a: {  	[hbm4b:s13+s12] =	stream.strided.scatter [tilespmem:s14], [sflag:$0x2], $0x4000, s8, s12, $0x20;
	[tilespmem:$0x10100] =	vst v63  }
.LBB1_5:
0x1b: {  	s14 =	sadd.s32 $0x1000, s9  }
0x1c: {  	s12 =	simm.s32 $0x1;
	p2 =	sgt.s32 s14, $0x3FFF  }
0x1d: {  	s12 =	simm.s32 @!p2 $0x0  }
0x1e: {  	s16 =	sadd.s32 s12, s10  }
0x1f: {  	s14 =	smov.u32 @p2 s2;
	p2 =	sgt.s32 s16, $0x18  }
0x20: {  	s16 =	simm.s32 @p2 $0x0;
	p2 =	sne.s32 s11, s7  }
.Ltmp1:
0x21: {  	p1 =	slt.u32 s11, $0x2;
	(pc) =	sbr.rel @!p2 .LBB1_6-.Ltmp1, $4  }
0x22: {  	s15 =	simm.s32 @!p1 $0x2  }
0x23: {  	s13 =	smov.u32 s10;
	p0 =	por !p0, !p0;
	_ =	swait.ge @!p1 [sflag:s15], $0x4000  }
0x24: {  	[sflag:s15] =	ssyncset.done @!p1 $0x0;
	s12 =	smov.u32 s9;
	s9 =	smov.u32 s14  }
0x25: {  	[sflag:s15] =	ssyncadd.s32 @!p1 $0xFFFFC000;
	s11 =	sadd.s32 $0x1, s11;
	s10 =	smov.u32 s16  }
.LBB1_1:
0x26: {  	p1 =	sge.u32 s11, s5;
	s31 =	sadd.s32 $0xFFFFFFFF, s11  }
0x27: {  	s14 =	sxor.u32 @!p1 $0xFFFFFFFF, s11;
	s15 =	sshll.u32 @!p1 s10, $0x12;
	s16 =	sshll.u32 @!p1 s9, $0x4  }
0x28: {  	s14 =	sshll.u32 @!p1 s14, $0xE;
	s16 =	sand.u32 @!p1 $0x3FFF0, s16;
	s15 =	sadd.s32 @!p1 s6, s15  }
0x29: {  	s14 =	sand.u32 @!p1 $0x4000, s14;
	s15 =	sadd.s32 @!p1 s16, s15;
	s16 =	simm.s32 @!p1 $0x0  }
0x2a: {  	[tilespmem:s14], [sflag:$0x1] =	stream.linear.gather @!p1 [hbm4b:s15+s16], $0x4000, $0x38;
	[tilespmem:$0x10100] =	vst v63  }
0x2b: {  	p1 =	sge.u32 s31, s5  }
.Ltmp2:
0x2c: {  	_ = 	snop;
	(pc) =	sbr.rel @p1 .LBB1_5-.Ltmp2, $1  }
0x2d: {  	_ =	sdelay $0x3  }
0x2e: {  	s14 =	simm.s32 $0x1  }
0x2f: {  	_ =	swait.ge [sflag:s4], $0x4000;
	s14 =	simm.s32 @!p0 $0x0  }
0x30: {  	[sflag:s4] =	ssyncset.done $0x0;
	s15 =	sshll.u32 s14, $0xE  }
0x31: {  	[sflag:s4] =	ssyncadd.s32 $0xFFFFC000;
	s17 =	sor.u32 $0x40, s15  }
0x32: {  	s14 =	smul.u32 $0x10200, s14;
	v0 =	vld [tilespmem:s17+$0x30]  }
0x33: {  	v3 =	vld [tilespmem:s17+$0xFFFFFFD0]  }
0x34: {  	s14 =	sshrl.u32 s14, $0x2;
	v4 =	vld [tilespmem:s17+$0xFFFFFFE0]  }
0x35: {  	v5 =	vld [tilespmem:s17+$0xFFFFFFF0];
	s15 =	sor.u32 $0x8000, s14  }
0x36: {  	s31 =	sand.u32 $0x1, s11;
	v1 =	vld [tilespmem:s17+$0x0];
	s16 =	sadd.s32 $0x0, s15  }
0x37: {  	v2 =	vld [tilespmem:s17+$0x10];
	s14 =	smul.u32 $0x10200, s31;
	[tilespmem:s16+$0x3870 ss:$0x81] =	vst.msk $0xffff, v0  }
0x38: {  	[tilespmem:s16+$0x810 ss:$0x81] =	vst.msk $0xffff, v3;
	v3 =	vld [tilespmem:s17+$0x20]  }
0x39: {  	s14 =	sshrl.u32 s14, $0x2;
	v0 =	vld [tilespmem:s17+$0xFFFFFFC0];
	[tilespmem:s16+$0x1020 ss:$0x81] =	vst.msk $0xffff, v4;
	s17 =	sadd.s32 $0x80, s17  }
0x3a: {  	s18 =	simm.s32 $0x4;
	s19 =	simm.s32 $0x8;
	s14 =	sor.u32 $0x8000, s14;
	[tilespmem:s16+$0x1830 ss:$0x81] =	vst.msk $0xffff, v5;
	v4 =	vld [tilespmem:s17+$0x30]  }
.LBB1_3:
0x3b: {  	p1 =	sne.s32 s19, $0x1FC;
	v5 =	vld [tilespmem:s17+$0xFFFFFFD0];
	[tilespmem:s16+$0x2040 ss:$0x81] =	vst.msk $0xffff, v1  }
0x3c: {  	v6 =	vld [tilespmem:s17+$0xFFFFFFE0];
	[tilespmem:s16+$0x2850 ss:$0x81] =	vst.msk $0xffff, v2  }
0x3d: {  	s20 =	sshra.s32 s18, $0x2;
	s18 =	smov.u32 s19;
	v7 =	vld [tilespmem:s17+$0xFFFFFFF0];
	[tilespmem:s16+$0x3060 ss:$0x81] =	vst.msk $0xffff, v3  }
.Ltmp3:
0x3e: {  	v1 =	vld [tilespmem:s17+$0x0];
	[tilespmem:s16+$0x0 ss:$0x81] =	vst.msk $0xffff, v0;
	s16 =	sadd.s32 s20, s15;
	(pc) =	sbr.rel @p1 .LBB1_3-.Ltmp3, $4  }
0x3f: {  	v2 =	vld [tilespmem:s17+$0x10];
	[tilespmem:s16+$0x3870 ss:$0x81] =	vst.msk $0xffff, v4  }
0x40: {  	[tilespmem:s16+$0x810 ss:$0x81] =	vst.msk $0xffff, v5;
	v3 =	vld [tilespmem:s17+$0x20]  }
0x41: {  	v0 =	vld [tilespmem:s17+$0xFFFFFFC0];
	[tilespmem:s16+$0x1020 ss:$0x81] =	vst.msk $0xffff, v6;
	s17 =	sadd.s32 $0x80, s17  }
0x42: {  	s19 =	sadd.s32 $0x4, s19;
	v4 =	vld [tilespmem:s17+$0x30];
	[tilespmem:s16+$0x1830 ss:$0x81] =	vst.msk $0xffff, v7  }
.Ltmp4:
0x43: {  	_ = 	snop;
	(pc) =	sbr.rel .LBB1_4-.Ltmp4, $1  }
0x44: {  	_ =	sdelay $0x3  }
.LBB1_6:
0x45: {  	_ =	sfence.sel $0x180000  }
0x46: {  	s2 =	simm.s32 $0x1;
	[bflag:$0x0] =	sbarrier.arrive $0xFFFF  }
0x47: {  	s31 =	simm.s32 $0x2;
	[sflag:s2] =	ssyncpa.u1 $0x1  }
0x48: {  	[sflag:s31] =	ssyncpa.u1 $0x1  }
0x49: {  	p0 =	sne.s32 s0, $0x0;
	_ =	strace $0x9000004D  }
0x4a: {  	s0 =	sadd.s32 @!p0 $0x100000, s1;
	[bflag:$0x2] =	sbarrier.arrive $0xFFFF  }
0x4b: {  	[sflag:s0] =	ssyncadd.tile.s32 @!p0 $0x1;
	_ =	shalt  }
.Lfunc_end1:
_tile_overlayer_lowered:
.L_overlay_start_2:
0x4c: {  	(tag) =	ssettag $0x2  }
0x4d: {  	s0 =	rddreg [dreg:$0x0];
	s2 =	stileid.u32  }
0x4e: {  	s1 =	rddreg [dreg:$0x1];
	p0 =	sne.s32 s2, $0x0  }
0x4f: {  	s3 =	rddreg [dreg:$0x2];
	[bflag:$0x3] =	sbarrier.arrive $0xFFFF;
	s2 =	simm.s32 @!p0 $0x1C01  }
0x50: {  	[timem:s3], [sflag:s2] =	dma.local @!p0 [hbm:s0], s1  }
0x51: {  	s0 =	simm.s32 @!p0 $0x1  }
0x52: {  	_ =	swait.ge @!p0 [sflag:s0], s1  }
0x53: {  	s1 =	ssub.s32 @!p0 $0x0, s1;
	[sflag:s0] =	ssyncset.done @!p0 $0x0  }
0x54: {  	[sflag:s0] =	ssyncadd.s32 @!p0 s1  }
0x55: {  	[bflag:$0x3] =	sbarrier.arrive $0xFFFF  }
0x56: {  	_ =	shalt  }

</sc_bundles>
